<compile_context>
chip_gen: v7x
topology: tpu7x:2x2x1
jax: 0.10.2.dev20260603
libtpu: 0.0.44.dev20260713+nightly
codegen_flags: <defaults>
</compile_context>

<pallas_src>
import functools

import jax
import jax.numpy as jnp
from jax import lax
from jax.experimental import pallas as pl
from jax.experimental.pallas import tpu as pltpu
from jax.experimental.pallas import tpu_sc as plsc

N_NODES = 10000
N_EDGES = 160000
DIM = 256
HALF = 128

NPAD = 10112
JUNK_ROW = 10016
EPAD = 163840
SEG_CHUNKS = 80
DEG_CHUNKS = 40
CHUNK = 128
ROWS_PER_TILE = NPAD // 16


def _deg_body(cols_hbm, ones_hbm, zeros_hbm, deg_hbm, colv, ones_v, acc, sem):
    c = lax.axis_index("c")
    s = lax.axis_index("s")
    tile = c * 16 + s
    pltpu.sync_copy(cols_hbm.at[tile], colv)
    pltpu.sync_copy(ones_hbm, ones_v)
    pltpu.sync_copy(
        zeros_hbm.at[pl.ds(s * ROWS_PER_TILE, ROWS_PER_TILE)],
        acc.at[pl.ds(s * ROWS_PER_TILE, ROWS_PER_TILE)],
    )
    plsc.subcore_barrier()

    @pl.loop(0, DEG_CHUNKS)
    def _(j):
        pltpu.sync_copy(ones_v, acc.at[colv.at[j]], add=True)

    plsc.subcore_barrier()
    pltpu.sync_copy(
        acc.at[pl.ds(s * ROWS_PER_TILE, ROWS_PER_TILE)],
        deg_hbm.at[c, pl.ds(s * ROWS_PER_TILE, ROWS_PER_TILE)],
    )


_deg_kernel = pl.kernel(
    _deg_body,
    out_type=jax.ShapeDtypeStruct((2, NPAD, HALF), jnp.float32),
    mesh=plsc.VectorSubcoreMesh(core_axis_name="c", subcore_axis_name="s"),
    scratch_types=[
        pltpu.VMEM((DEG_CHUNKS, CHUNK), jnp.int32),
        pltpu.VMEM((CHUNK, HALF), jnp.float32),
        pltpu.VMEM_SHARED((NPAD, HALF), jnp.float32),
        pltpu.SemaphoreType.DMA,
    ],
)


NBUF = 2
N_PASS = 2
PASS_CHUNKS = SEG_CHUNKS // N_PASS


def _seg_body(s_hbm, rows_hbm, cols_hbm, zeros_hbm, t_hbm,
              rowv, colv, buf0, buf1, acc, sem0, sem1):
    c = lax.axis_index("c")
    s = lax.axis_index("s")
    tile = c * 16 + s
    bufs = (buf0, buf1)
    sems = (sem0, sem1)
    pltpu.sync_copy(
        zeros_hbm.at[pl.ds(s * ROWS_PER_TILE, ROWS_PER_TILE)],
        acc.at[pl.ds(s * ROWS_PER_TILE, ROWS_PER_TILE)],
    )
    plsc.subcore_barrier()

    @pl.loop(0, N_PASS)
    def _(p):
        pltpu.sync_copy(
            rows_hbm.at[tile, pl.ds(p * PASS_CHUNKS, PASS_CHUNKS)], rowv)
        pltpu.sync_copy(
            cols_hbm.at[s, pl.ds(p * PASS_CHUNKS, PASS_CHUNKS)], colv)

        for b in range(NBUF):
            pltpu.async_copy(s_hbm.at[rowv.at[b]], bufs[b], sems[b])

        @pl.loop(0, PASS_CHUNKS - NBUF, step=NBUF)
        def _(j):
            for b in range(NBUF):
                pltpu.make_async_copy(
                    s_hbm.at[rowv.at[b]], bufs[b], sems[b]).wait()
                pltpu.sync_copy(bufs[b], acc.at[colv.at[j + b]], add=True)
                pltpu.async_copy(
                    s_hbm.at[rowv.at[j + NBUF + b]], bufs[b], sems[b])

        for b in range(NBUF):
            pltpu.make_async_copy(
                s_hbm.at[rowv.at[b]], bufs[b], sems[b]).wait()
            pltpu.sync_copy(bufs[b], acc.at[colv.at[PASS_CHUNKS - NBUF + b]],
                            add=True)

    plsc.subcore_barrier()
    pltpu.sync_copy(
        acc.at[pl.ds(s * ROWS_PER_TILE, ROWS_PER_TILE)],
        t_hbm.at[c, pl.ds(s * ROWS_PER_TILE, ROWS_PER_TILE)],
    )


_seg_kernel = pl.kernel(
    _seg_body,
    out_type=jax.ShapeDtypeStruct((2, NPAD, HALF), jnp.float32),
    mesh=plsc.VectorSubcoreMesh(core_axis_name="c", subcore_axis_name="s"),
    scratch_types=[
        pltpu.VMEM((PASS_CHUNKS, CHUNK), jnp.int32),
        pltpu.VMEM((PASS_CHUNKS, CHUNK), jnp.int32),
        pltpu.VMEM((CHUNK, HALF), jnp.float32),
        pltpu.VMEM((CHUNK, HALF), jnp.float32),
        pltpu.VMEM_SHARED((NPAD, HALF), jnp.float32),
        pltpu.SemaphoreType.DMA,
        pltpu.SemaphoreType.DMA,
    ],
)


def _dis_from(deg_ref):
    deg = deg_ref[0, :, 0:1] + deg_ref[1, :, 0:1] + 1.0
    return lax.rsqrt(deg)


def _mm1_body(x_ref, w_ref, o_ref):
    o_ref[...] = jnp.dot(x_ref[...], w_ref[...],
                         preferred_element_type=jnp.float32)


def _scale_body(deg_ref, u_ref, o_ref):
    o_ref[...] = _dis_from(deg_ref) * u_ref[...]


def _comb_body(deg_ref, t_ref, s_ref, b_ref, w_ref, o_ref):
    dis = _dis_from(deg_ref)
    ha = jnp.maximum(dis * (t_ref[0] + s_ref[0]) + b_ref[:, :HALF], 0.0)
    hb = jnp.maximum(dis * (t_ref[1] + s_ref[1]) + b_ref[:, HALF:], 0.0)
    h = jnp.concatenate([ha, hb], axis=1)
    o_ref[...] = dis * jnp.dot(h, w_ref[...], preferred_element_type=jnp.float32)


def _fin_body(wt_ref, mut_ref, deg_ref, t_ref, s_ref, b_ref, mask_ref,
              aa_ref, wh1_ref, bh1_ref, wh2_ref, bh2_ref, o_ref, zacc):
    i = pl.program_id(0)
    dis = _dis_from(deg_ref)
    ha = jnp.maximum(dis * (t_ref[0] + s_ref[0]) + b_ref[:, :HALF], 0.0)
    hb = jnp.maximum(dis * (t_ref[1] + s_ref[1]) + b_ref[:, HALF:], 0.0)
    h = jnp.concatenate([ha, hb], axis=1)
    part = jnp.dot(mask_ref[pl.ds(i, 1), :], h,
                   preferred_element_type=jnp.float32)

    @pl.when(i == 0)
    def _():
        zacc[...] = part

    @pl.when(i != 0)
    def _():
        zacc[...] = zacc[...] + part

    @pl.when(i == pl.num_programs(0) - 1)
    def _():
        z = zacc[...]
        wt = wt_ref[0]
        mut = mut_ref[0]
        delta = aa_ref[pl.ds(mut, 1), :] - aa_ref[pl.ds(wt, 1), :]
        hid = (jnp.dot(z, wh1_ref[:DIM, :], preferred_element_type=jnp.float32)
               + jnp.dot(delta, wh1_ref[DIM:, :],
                         preferred_element_type=jnp.float32)
               + bh1_ref[...])
        hid = jnp.maximum(hid, 0.0)
        o_ref[...] = jnp.dot(hid, wh2_ref[...],
                             preferred_element_type=jnp.float32) + bh2_ref[...]


_BLK = 1000


def _mm1_call(x, w1):
    return pl.pallas_call(
        _mm1_body,
        grid=(2, 10),
        in_specs=[
            pl.BlockSpec((_BLK, DIM), lambda j, i: (i, 0)),
            pl.BlockSpec((DIM, HALF), lambda j, i: (0, j)),
        ],
        out_specs=pl.BlockSpec((_BLK, HALF), lambda j, i: (j * 10 + i, 0)),
        out_shape=jax.ShapeDtypeStruct((2 * N_NODES, HALF), jnp.float32),
    )(x, w1)


def _scale_call(deg2, u):
    return pl.pallas_call(
        _scale_body,
        grid=(2, 10),
        in_specs=[
            pl.BlockSpec((2, _BLK, HALF), lambda j, i: (0, i, 0)),
            pl.BlockSpec((_BLK, HALF), lambda j, i: (j * 10 + i, 0)),
        ],
        out_specs=pl.BlockSpec((_BLK, HALF), lambda j, i: (j * 10 + i, 0)),
        out_shape=jax.ShapeDtypeStruct((2 * N_NODES, HALF), jnp.float32),
    )(deg2, u)


def _comb_call(deg2, t, s_r, b, w2):
    return pl.pallas_call(
        _comb_body,
        grid=(2, 10),
        in_specs=[
            pl.BlockSpec((2, _BLK, HALF), lambda j, i: (0, i, 0)),
            pl.BlockSpec((2, _BLK, HALF), lambda j, i: (0, i, 0)),
            pl.BlockSpec((2, _BLK, HALF), lambda j, i: (0, i, 0)),
            pl.BlockSpec((1, DIM), lambda j, i: (0, 0)),
            pl.BlockSpec((DIM, HALF), lambda j, i: (0, j)),
        ],
        out_specs=pl.BlockSpec((_BLK, HALF), lambda j, i: (j * 10 + i, 0)),
        out_shape=jax.ShapeDtypeStruct((2 * N_NODES, HALF), jnp.float32),
    )(deg2, t, s_r, b, w2)


def _fin_call(wt_idx, mut_idx, deg2, t, s_r, b, mask, aa, wh1, bh1, wh2, bh2):
    return pl.pallas_call(
        _fin_body,
        grid=(10,),
        in_specs=[
            pl.BlockSpec(memory_space=pltpu.MemorySpace.SMEM),
            pl.BlockSpec(memory_space=pltpu.MemorySpace.SMEM),
            pl.BlockSpec((2, _BLK, HALF), lambda i: (0, i, 0)),
            pl.BlockSpec((2, _BLK, HALF), lambda i: (0, i, 0)),
            pl.BlockSpec((2, _BLK, HALF), lambda i: (0, i, 0)),
            pl.BlockSpec((1, DIM), lambda i: (0, 0)),
            pl.BlockSpec((10, _BLK), lambda i: (0, 0)),
            pl.BlockSpec((20, 64), lambda i: (0, 0)),
            pl.BlockSpec((DIM + 64, DIM), lambda i: (0, 0)),
            pl.BlockSpec((1, DIM), lambda i: (0, 0)),
            pl.BlockSpec((DIM, 1), lambda i: (0, 0)),
            pl.BlockSpec((1, 1), lambda i: (0, 0)),
        ],
        out_specs=pl.BlockSpec((1, 1), lambda i: (0, 0)),
        out_shape=jax.ShapeDtypeStruct((1, 1), jnp.float32),
        scratch_shapes=[pltpu.VMEM((1, DIM), jnp.float32)],
    )(wt_idx, mut_idx, deg2, t, s_r, b, mask, aa, wh1, bh1, wh2, bh2)


def kernel(x, edge_index, mut_mask, wt_idx, mut_idx,
           W1, b1, W2, b2, aa_emb, Wh1, bh1, Wh2, bh2):
    row = edge_index[0].astype(jnp.int32)
    col = edge_index[1].astype(jnp.int32)
    pad = EPAD - N_EDGES
    rowp = jnp.concatenate([row, jnp.zeros((pad,), jnp.int32)])
    colp = jnp.concatenate([col, jnp.full((pad,), JUNK_ROW, jnp.int32)])

    r16 = rowp.reshape(16, SEG_CHUNKS, CHUNK)
    rows_seg = jnp.concatenate([2 * r16, 2 * r16 + 1], axis=0)
    cols_seg = colp.reshape(16, SEG_CHUNKS, CHUNK)
    cols_deg = colp.reshape(32, DEG_CHUNKS, CHUNK)

    ones128 = jnp.ones((CHUNK, HALF), jnp.float32)
    zeros_big = jnp.zeros((NPAD, HALF), jnp.float32)

    deg2 = _deg_kernel(cols_deg, ones128, zeros_big)

    u1 = _mm1_call(x, W1)
    s1 = _scale_call(deg2, u1)
    t1 = _seg_kernel(s1, rows_seg, cols_seg, zeros_big)
    s1_r = s1.reshape(2, N_NODES, HALF)

    s2 = _comb_call(deg2, t1, s1_r, b1.reshape(1, DIM), W2)
    t2 = _seg_kernel(s2, rows_seg, cols_seg, zeros_big)
    s2_r = s2.reshape(2, N_NODES, HALF)

    out = _fin_call(wt_idx.astype(jnp.int32), mut_idx.astype(jnp.int32),
                    deg2, t2, s2_r, b2.reshape(1, DIM),
                    mut_mask.reshape(10, _BLK), aa_emb, Wh1,
                    bh1.reshape(1, DIM), Wh2, bh2.reshape(1, 1))
    return out[0, 0]

# --- scband reference (transcript-rebuilt; emitter-appended) ---
"""Pipeline reference for scband-compat-hgnn-75204877353183 (READ-ONLY COPY).

The authoritative reference and input builder live on the scoring server;
editing this copy changes nothing except your own understanding.
"""

import jax, jax.numpy as jnp
import numpy as np

N_NODES = 10000
N_EDGES = 160000
IN_DIM = 256
HIDDEN = 256
AA_DIM = 64


def setup_inputs(seed: int = 0) -> dict:
    key = jax.random.key(seed)
    ks = jax.random.split(key, 16)
    x = jax.random.normal(ks[0], (N_NODES, IN_DIM), dtype=jnp.float32)
    edge_index = jax.random.randint(ks[1], (2, N_EDGES), 0, N_NODES, dtype=jnp.int64 if jax.config.jax_enable_x64 else jnp.int32).astype(jnp.int32)
    mut_mask = jax.random.uniform(ks[2], (N_NODES,), dtype=jnp.float32)
    wt_idx = jax.random.randint(ks[3], (1,), 0, 20).astype(jnp.int32)
    mut_idx = jax.random.randint(ks[4], (1,), 0, 20).astype(jnp.int32)
    # parameters (glorot-ish init)
    W1 = jax.random.normal(ks[5], (IN_DIM, HIDDEN), dtype=jnp.float32) / np.sqrt(IN_DIM)
    b1 = jnp.zeros((HIDDEN,), dtype=jnp.float32)
    W2 = jax.random.normal(ks[6], (HIDDEN, HIDDEN), dtype=jnp.float32) / np.sqrt(HIDDEN)
    b2 = jnp.zeros((HIDDEN,), dtype=jnp.float32)
    aa_emb = jax.random.normal(ks[7], (20, AA_DIM), dtype=jnp.float32)
    Wh1 = jax.random.normal(ks[8], (HIDDEN + AA_DIM, 256), dtype=jnp.float32) / np.sqrt(HIDDEN + AA_DIM)
    bh1 = jnp.zeros((256,), dtype=jnp.float32)
    Wh2 = jax.random.normal(ks[9], (256, 1), dtype=jnp.float32) / np.sqrt(256)
    bh2 = jnp.zeros((1,), dtype=jnp.float32)
    return {"x": x, "edge_index": edge_index, "mut_mask": mut_mask, "wt_idx": wt_idx,
            "mut_idx": mut_idx, "W1": W1, "b1": b1, "W2": W2, "b2": b2,
            "aa_emb": aa_emb, "Wh1": Wh1, "bh1": bh1, "Wh2": Wh2, "bh2": bh2}


def gcn_conv(x, edge_index, W, b):
    # PyG GCNConv with add_self_loops=True, normalize=True, edge_weight=None
    N = x.shape[0]
    loop = jnp.arange(N, dtype=edge_index.dtype)
    row = jnp.concatenate([edge_index[0], loop])
    col = jnp.concatenate([edge_index[1], loop])
    ew = jnp.ones(row.shape[0], dtype=x.dtype)
    deg = jax.ops.segment_sum(ew, col, num_segments=N)
    deg_inv_sqrt = jnp.where(deg > 0, 1.0 / jnp.sqrt(deg), 0.0)
    norm = deg_inv_sqrt[row] * ew * deg_inv_sqrt[col]
    xw = x @ W
    msg = xw[row] * norm[:, None]  # gather (SparseCore)
    out = jax.ops.segment_sum(msg, col, num_segments=N)  # scatter-add
    return out + b


def reference(x, edge_index, mut_mask, wt_idx, mut_idx,
              W1, b1, W2, b2, aa_emb, Wh1, bh1, Wh2, bh2):
    h = jax.nn.relu(gcn_conv(x, edge_index, W1, b1))
    h = jax.nn.relu(gcn_conv(h, edge_index, W2, b2))
    m = mut_mask[:, None]
    z = (h * m).sum(axis=0, keepdims=True)            # [1, hidden]
    wt = aa_emb[wt_idx.reshape(-1)]                    # [1, aa_dim]
    mut = aa_emb[mut_idx.reshape(-1)]                  # [1, aa_dim]
    delta = mut - wt
    feat = jnp.concatenate([z, delta], axis=1)         # [1, hidden+aa_dim]
    hidden = jax.nn.relu(feat @ Wh1 + bh1)             # dropout is identity in eval
    out = (hidden @ Wh2 + bh2).squeeze(1)              # [1]
    return out.squeeze(0)                              # scalar

if __name__ == "__main__":
    import jax
    _d = setup_inputs()
    print(jax.jit(kernel)(*tuple(_d.values())))

</pallas_src>

<mosaic_0001>
#map = affine_map<(d0, d1) -> (0, 0)>
#map1 = affine_map<(d0, d1) -> (0, 0, 0)>
module attributes {stable_mosaic.version = 14 : i64} {
  func.func @_seg_body(%arg0: i32, %arg1: i32, %arg2: memref<20000x128xf32, #tpu.memory_space<hbm>>, %arg3: memref<32x80x128xi32, #tpu.memory_space<hbm>>, %arg4: memref<16x80x128xi32, #tpu.memory_space<hbm>>, %arg5: memref<10112x128xf32, #tpu.memory_space<hbm>>, %arg6: memref<2x10112x128xf32, #tpu.memory_space<hbm>>, %arg7: memref<40x128xi32, #tpu.memory_space<vmem>>, %arg8: memref<40x128xi32, #tpu.memory_space<vmem>>, %arg9: memref<128x128xf32, #tpu.memory_space<vmem>>, %arg10: memref<128x128xf32, #tpu.memory_space<vmem>>, %arg11: memref<10112x128xf32, #tpu.memory_space<vmem_shared>>, %arg12: memref<!tpu.dma_semaphore, #tpu.memory_space<semaphore_mem>>, %arg13: memref<!tpu.dma_semaphore, #tpu.memory_space<semaphore_mem>>) attributes {dimension_semantics = [#tpu.dimension_semantics<core_parallel>, #tpu.dimension_semantics<subcore_parallel>], iteration_bounds = array<i64: 2, 16>, scalar_prefetch = 0 : i64, scratch_operands = 7 : i64, tpu.core_type = #tpu.core_type<sc_vector_subcore>, window_params = [{transform_indices = #map}, {transform_indices = #map1}, {transform_indices = #map1}, {transform_indices = #map}, {transform_indices = #map1}]} {
    %mul3A = arith.constant 16 : i32
    %mul3A_0 = arith.muli %arg0, %mul3A : i32
    %add3A = arith.addi %mul3A_0, %arg1 : i32
    %mul3A_1 = arith.constant 632 : i32
    %mul3A_2 = arith.muli %arg1, %mul3A_1 : i32
    %mul3A_3 = arith.constant 632 : i32
    %mul3A_4 = arith.muli %arg1, %mul3A_3 : i32
    "tpu.region"() ({
      %run_scoped3A = tpu.sem_alloc : memref<!tpu.dma_semaphore, #tpu.memory_space<semaphore_mem>>
      %dma_start3A = arith.constant 0 : i32
      %dma_start3A_14 = tpu.memref_slice %arg11[%mul3A_4, %dma_start3A] : memref<10112x128xf32, #tpu.memory_space<vmem_shared>> -> memref<632x128xf32, #tpu.memory_space<vmem_shared>>
      %dma_start3A_15 = arith.constant 0 : i32
      %dma_start3A_16 = tpu.memref_slice %arg5[%mul3A_2, %dma_start3A_15] : memref<10112x128xf32, #tpu.memory_space<hbm>> -> memref<632x128xf32, #tpu.memory_space<hbm>>
      tpu.enqueue_dma source(%dma_start3A_16 : memref<632x128xf32, #tpu.memory_space<hbm>>) target(%dma_start3A_14 : memref<632x128xf32, #tpu.memory_space<vmem_shared>>) target_semaphore(%run_scoped3A : memref<!tpu.dma_semaphore, #tpu.memory_space<semaphore_mem>>)
      %dma_wait3A = arith.constant 0 : i32
      %dma_wait3A_17 = tpu.memref_slice %arg11[%mul3A_4, %dma_wait3A] : memref<10112x128xf32, #tpu.memory_space<vmem_shared>> -> memref<632x128xf32, #tpu.memory_space<vmem_shared>>
      %dma_wait3A_18 = arith.constant 0 : i32
      %dma_wait3A_19 = tpu.memref_slice %arg5[%mul3A_2, %dma_wait3A_18] : memref<10112x128xf32, #tpu.memory_space<hbm>> -> memref<632x128xf32, #tpu.memory_space<hbm>>
      tpu.wait_dma2 semaphore(%run_scoped3A : memref<!tpu.dma_semaphore, #tpu.memory_space<semaphore_mem>>) src(%dma_wait3A_19 : memref<632x128xf32, #tpu.memory_space<hbm>>) dst(%dma_wait3A_17 : memref<632x128xf32, #tpu.memory_space<vmem_shared>>)
      tpu.yield
    }) : () -> ()
    %barrier3A = arith.constant 0 : index
    tpu.barrier barrier_id(%barrier3A)
    %scan3A = arith.constant 0 : i32
    %scan3A_5 = arith.constant 2 : i32
    %scan3A_6 = arith.addi %scan3A, %scan3A_5 : i32
    %scan3A_7 = arith.constant 1 : i32
    scf.for %scan3A_14 = %scan3A to %scan3A_6 step %scan3A_7  : i32 {
      %mul3A_15 = arith.constant 1 : i32
      %mul3A_16 = arith.muli %scan3A_14, %mul3A_15 : i32
      %add3A_17 = arith.constant 0 : i32
      %add3A_18 = arith.addi %add3A_17, %mul3A_16 : i32
      %mul3A_19 = arith.constant 40 : i32
      %mul3A_20 = arith.muli %add3A_18, %mul3A_19 : i32
      "tpu.region"() ({
        %run_scoped3A_55 = tpu.sem_alloc : memref<!tpu.dma_semaphore, #tpu.memory_space<semaphore_mem>>
        %dma_start3A_56 = arith.constant 0 : i32
        %dma_start3A_57 = tpu.memref_slice %arg3[%add3A, %mul3A_20, %dma_start3A_56] : memref<32x80x128xi32, #tpu.memory_space<hbm>> -> memref<1x40x128xi32, #tpu.memory_space<hbm>>
        %dma_start3A_58 = tpu.memref_squeeze %dma_start3A_57 : memref<1x40x128xi32, #tpu.memory_space<hbm>> -> memref<40x128xi32, #tpu.memory_space<hbm>>
        %dma_start3A_59 = arith.constant 0 : i32
        %dma_start3A_60 = tpu.memref_slice %arg3[%add3A, %mul3A_20, %dma_start3A_59] : memref<32x80x128xi32, #tpu.memory_space<hbm>> -> memref<1x40x128xi32, #tpu.memory_space<hbm>>
        %dma_start3A_61 = tpu.memref_squeeze %dma_start3A_60 : memref<1x40x128xi32, #tpu.memory_space<hbm>> -> memref<40x128xi32, #tpu.memory_space<hbm>>
        tpu.enqueue_dma source(%dma_start3A_61 : memref<40x128xi32, #tpu.memory_space<hbm>>) target(%arg7 : memref<40x128xi32, #tpu.memory_space<vmem>>) target_semaphore(%run_scoped3A_55 : memref<!tpu.dma_semaphore, #tpu.memory_space<semaphore_mem>>)
        %dma_wait3A_62 = arith.constant 0 : i32
        %dma_wait3A_63 = tpu.memref_slice %arg3[%add3A, %mul3A_20, %dma_wait3A_62] : memref<32x80x128xi32, #tpu.memory_space<hbm>> -> memref<1x40x128xi32, #tpu.memory_space<hbm>>
        %dma_wait3A_64 = tpu.memref_squeeze %dma_wait3A_63 : memref<1x40x128xi32, #tpu.memory_space<hbm>> -> memref<40x128xi32, #tpu.memory_space<hbm>>
        %dma_wait3A_65 = arith.constant 0 : i32
        %dma_wait3A_66 = tpu.memref_slice %arg3[%add3A, %mul3A_20, %dma_wait3A_65] : memref<32x80x128xi32, #tpu.memory_space<hbm>> -> memref<1x40x128xi32, #tpu.memory_space<hbm>>
        %dma_wait3A_67 = tpu.memref_squeeze %dma_wait3A_66 : memref<1x40x128xi32, #tpu.memory_space<hbm>> -> memref<40x128xi32, #tpu.memory_space<hbm>>
        tpu.wait_dma2 semaphore(%run_scoped3A_55 : memref<!tpu.dma_semaphore, #tpu.memory_space<semaphore_mem>>) src(%dma_wait3A_67 : memref<40x128xi32, #tpu.memory_space<hbm>>) dst(%arg7 : memref<40x128xi32, #tpu.memory_space<vmem>>)
        tpu.yield
      }) : () -> ()
      %mul3A_21 = arith.constant 40 : i32
      %mul3A_22 = arith.muli %add3A_18, %mul3A_21 : i32
      "tpu.region"() ({
        %run_scoped3A_55 = tpu.sem_alloc : memref<!tpu.dma_semaphore, #tpu.memory_space<semaphore_mem>>
        %dma_start3A_56 = arith.constant 0 : i32
        %dma_start3A_57 = tpu.memref_slice %arg4[%arg1, %mul3A_22, %dma_start3A_56] : memref<16x80x128xi32, #tpu.memory_space<hbm>> -> memref<1x40x128xi32, #tpu.memory_space<hbm>>
        %dma_start3A_58 = tpu.memref_squeeze %dma_start3A_57 : memref<1x40x128xi32, #tpu.memory_space<hbm>> -> memref<40x128xi32, #tpu.memory_space<hbm>>
        %dma_start3A_59 = arith.constant 0 : i32
        %dma_start3A_60 = tpu.memref_slice %arg4[%arg1, %mul3A_22, %dma_start3A_59] : memref<16x80x128xi32, #tpu.memory_space<hbm>> -> memref<1x40x128xi32, #tpu.memory_space<hbm>>
        %dma_start3A_61 = tpu.memref_squeeze %dma_start3A_60 : memref<1x40x128xi32, #tpu.memory_space<hbm>> -> memref<40x128xi32, #tpu.memory_space<hbm>>
        tpu.enqueue_dma source(%dma_start3A_61 : memref<40x128xi32, #tpu.memory_space<hbm>>) target(%arg8 : memref<40x128xi32, #tpu.memory_space<vmem>>) target_semaphore(%run_scoped3A_55 : memref<!tpu.dma_semaphore, #tpu.memory_space<semaphore_mem>>)
        %dma_wait3A_62 = arith.constant 0 : i32
        %dma_wait3A_63 = tpu.memref_slice %arg4[%arg1, %mul3A_22, %dma_wait3A_62] : memref<16x80x128xi32, #tpu.memory_space<hbm>> -> memref<1x40x128xi32, #tpu.memory_space<hbm>>
        %dma_wait3A_64 = tpu.memref_squeeze %dma_wait3A_63 : memref<1x40x128xi32, #tpu.memory_space<hbm>> -> memref<40x128xi32, #tpu.memory_space<hbm>>
        %dma_wait3A_65 = arith.constant 0 : i32
        %dma_wait3A_66 = tpu.memref_slice %arg4[%arg1, %mul3A_22, %dma_wait3A_65] : memref<16x80x128xi32, #tpu.memory_space<hbm>> -> memref<1x40x128xi32, #tpu.memory_space<hbm>>
        %dma_wait3A_67 = tpu.memref_squeeze %dma_wait3A_66 : memref<1x40x128xi32, #tpu.memory_space<hbm>> -> memref<40x128xi32, #tpu.memory_space<hbm>>
        tpu.wait_dma2 semaphore(%run_scoped3A_55 : memref<!tpu.dma_semaphore, #tpu.memory_space<semaphore_mem>>) src(%dma_wait3A_67 : memref<40x128xi32, #tpu.memory_space<hbm>>) dst(%arg8 : memref<40x128xi32, #tpu.memory_space<vmem>>)
        tpu.yield
      }) : () -> ()
      %dma_start3A = arith.constant 0 : i32
      %dma_start3A_23 = arith.constant 0 : i32
      %dma_start3A_24 = tpu.memref_slice %arg7[%dma_start3A, %dma_start3A_23] : memref<40x128xi32, #tpu.memory_space<vmem>> -> memref<1x128xi32, #tpu.memory_space<vmem>>
      %dma_start3A_25 = tpu.memref_squeeze %dma_start3A_24 : memref<1x128xi32, #tpu.memory_space<vmem>> -> memref<128xi32, #tpu.memory_space<vmem>>
      %dma_start3A_26 = arith.constant 0 : i32
      %dma_start3A_27 = arith.constant 0 : i32
      %dma_start3A_28 = tpu.memref_slice %arg2[%dma_start3A_26, %dma_start3A_27] : memref<20000x128xf32, #tpu.memory_space<hbm>> -> memref<20000x128xf32, #tpu.memory_space<hbm>>
      tpu.enqueue_indirect_dma source(%dma_start3A_28 : memref<20000x128xf32, #tpu.memory_space<hbm>>) target(%arg9 : memref<128x128xf32, #tpu.memory_space<vmem>>) offsets(%dma_start3A_25 : memref<128xi32, #tpu.memory_space<vmem>>) semaphore(%arg12 : memref<!tpu.dma_semaphore, #tpu.memory_space<semaphore_mem>>)
      %dma_start3A_29 = arith.constant 1 : i32
      %dma_start3A_30 = arith.constant 0 : i32
      %dma_start3A_31 = tpu.memref_slice %arg7[%dma_start3A_29, %dma_start3A_30] : memref<40x128xi32, #tpu.memory_space<vmem>> -> memref<1x128xi32, #tpu.memory_space<vmem>>
      %dma_start3A_32 = tpu.memref_squeeze %dma_start3A_31 : memref<1x128xi32, #tpu.memory_space<vmem>> -> memref<128xi32, #tpu.memory_space<vmem>>
      %dma_start3A_33 = arith.constant 0 : i32
      %dma_start3A_34 = arith.constant 0 : i32
      %dma_start3A_35 = tpu.memref_slice %arg2[%dma_start3A_33, %dma_start3A_34] : memref<20000x128xf32, #tpu.memory_space<hbm>> -> memref<20000x128xf32, #tpu.memory_space<hbm>>
      tpu.enqueue_indirect_dma source(%dma_start3A_35 : memref<20000x128xf32, #tpu.memory_space<hbm>>) target(%arg10 : memref<128x128xf32, #tpu.memory_space<vmem>>) offsets(%dma_start3A_32 : memref<128xi32, #tpu.memory_space<vmem>>) semaphore(%arg13 : memref<!tpu.dma_semaphore, #tpu.memory_space<semaphore_mem>>)
      %scan3A_36 = arith.constant 0 : i32
      %scan3A_37 = arith.constant 19 : i32
      %scan3A_38 = arith.addi %scan3A_36, %scan3A_37 : i32
      %scan3A_39 = arith.constant 1 : i32
      scf.for %scan3A_55 = %scan3A_36 to %scan3A_38 step %scan3A_39  : i32 {
        %mul3A_56 = arith.constant 2 : i32
        %mul3A_57 = arith.muli %scan3A_55, %mul3A_56 : i32
        %add3A_58 = arith.constant 0 : i32
        %add3A_59 = arith.addi %add3A_58, %mul3A_57 : i32
        %dma_wait3A_60 = arith.constant 0 : i32
        %dma_wait3A_61 = arith.constant 0 : i32
        %dma_wait3A_62 = tpu.memref_slice %arg7[%dma_wait3A_60, %dma_wait3A_61] : memref<40x128xi32, #tpu.memory_space<vmem>> -> memref<1x128xi32, #tpu.memory_space<vmem>>
        %dma_wait3A_63 = tpu.memref_squeeze %dma_wait3A_62 : memref<1x128xi32, #tpu.memory_space<vmem>> -> memref<128xi32, #tpu.memory_space<vmem>>
        %dma_wait3A_64 = arith.constant 0 : i32
        %dma_wait3A_65 = arith.constant 0 : i32
        %dma_wait3A_66 = tpu.memref_slice %arg2[%dma_wait3A_64, %dma_wait3A_65] : memref<20000x128xf32, #tpu.memory_space<hbm>> -> memref<20000x128xf32, #tpu.memory_space<hbm>>
        tpu.wait_indirect_dma semaphore(%arg12 : memref<!tpu.dma_semaphore, #tpu.memory_space<semaphore_mem>>) src(%dma_wait3A_66 : memref<20000x128xf32, #tpu.memory_space<hbm>>) dst(%arg9 : memref<128x128xf32, #tpu.memory_space<vmem>>)
        %add3A_67 = arith.constant 0 : i32
        %add3A_68 = arith.addi %add3A_59, %add3A_67 : i32
        "tpu.region"() ({
          %run_scoped3A_98 = tpu.sem_alloc : memref<!tpu.dma_semaphore, #tpu.memory_space<semaphore_mem>>
          %dma_start3A_99 = arith.constant 0 : i32
          %dma_start3A_100 = tpu.memref_slice %arg8[%add3A_68, %dma_start3A_99] : memref<40x128xi32, #tpu.memory_space<vmem>> -> memref<1x128xi32, #tpu.memory_space<vmem>>
          %dma_start3A_101 = tpu.memref_squeeze %dma_start3A_100 : memref<1x128xi32, #tpu.memory_space<vmem>> -> memref<128xi32, #tpu.memory_space<vmem>>
          %dma_start3A_102 = arith.constant 0 : i32
          %dma_start3A_103 = arith.constant 0 : i32
          %dma_start3A_104 = tpu.memref_slice %arg11[%dma_start3A_102, %dma_start3A_103] : memref<10112x128xf32, #tpu.memory_space<vmem_shared>> -> memref<10112x128xf32, #tpu.memory_space<vmem_shared>>
          tpu.enqueue_indirect_dma source(%arg9 : memref<128x128xf32, #tpu.memory_space<vmem>>) target(%dma_start3A_104 : memref<10112x128xf32, #tpu.memory_space<vmem_shared>>) offsets(%dma_start3A_101 : memref<128xi32, #tpu.memory_space<vmem>>) semaphore(%run_scoped3A_98 : memref<!tpu.dma_semaphore, #tpu.memory_space<semaphore_mem>>) {add = true}
          %dma_wait3A_105 = arith.constant 0 : i32
          %dma_wait3A_106 = tpu.memref_slice %arg8[%add3A_68, %dma_wait3A_105] : memref<40x128xi32, #tpu.memory_space<vmem>> -> memref<1x128xi32, #tpu.memory_space<vmem>>
          %dma_wait3A_107 = tpu.memref_squeeze %dma_wait3A_106 : memref<1x128xi32, #tpu.memory_space<vmem>> -> memref<128xi32, #tpu.memory_space<vmem>>
          %dma_wait3A_108 = arith.constant 0 : i32
          %dma_wait3A_109 = arith.constant 0 : i32
          %dma_wait3A_110 = tpu.memref_slice %arg11[%dma_wait3A_108, %dma_wait3A_109] : memref<10112x128xf32, #tpu.memory_space<vmem_shared>> -> memref<10112x128xf32, #tpu.memory_space<vmem_shared>>
          tpu.wait_indirect_dma semaphore(%run_scoped3A_98 : memref<!tpu.dma_semaphore, #tpu.memory_space<semaphore_mem>>) src(%arg9 : memref<128x128xf32, #tpu.memory_space<vmem>>) dst(%dma_wait3A_110 : memref<10112x128xf32, #tpu.memory_space<vmem_shared>>)
          tpu.yield
        }) : () -> ()
        %add3A_69 = arith.constant 2 : i32
        %add3A_70 = arith.addi %add3A_59, %add3A_69 : i32
        %add3A_71 = arith.constant 0 : i32
        %add3A_72 = arith.addi %add3A_70, %add3A_71 : i32
        %dma_start3A_73 = arith.constant 0 : i32
        %dma_start3A_74 = tpu.memref_slice %arg7[%add3A_72, %dma_start3A_73] : memref<40x128xi32, #tpu.memory_space<vmem>> -> memref<1x128xi32, #tpu.memory_space<vmem>>
        %dma_start3A_75 = tpu.memref_squeeze %dma_start3A_74 : memref<1x128xi32, #tpu.memory_space<vmem>> -> memref<128xi32, #tpu.memory_space<vmem>>
        %dma_start3A_76 = arith.constant 0 : i32
        %dma_start3A_77 = arith.constant 0 : i32
        %dma_start3A_78 = tpu.memref_slice %arg2[%dma_start3A_76, %dma_start3A_77] : memref<20000x128xf32, #tpu.memory_space<hbm>> -> memref<20000x128xf32, #tpu.memory_space<hbm>>
        tpu.enqueue_indirect_dma source(%dma_start3A_78 : memref<20000x128xf32, #tpu.memory_space<hbm>>) target(%arg9 : memref<128x128xf32, #tpu.memory_space<vmem>>) offsets(%dma_start3A_75 : memref<128xi32, #tpu.memory_space<vmem>>) semaphore(%arg12 : memref<!tpu.dma_semaphore, #tpu.memory_space<semaphore_mem>>)
        %dma_wait3A_79 = arith.constant 1 : i32
        %dma_wait3A_80 = arith.constant 0 : i32
        %dma_wait3A_81 = tpu.memref_slice %arg7[%dma_wait3A_79, %dma_wait3A_80] : memref<40x128xi32, #tpu.memory_space<vmem>> -> memref<1x128xi32, #tpu.memory_space<vmem>>
        %dma_wait3A_82 = tpu.memref_squeeze %dma_wait3A_81 : memref<1x128xi32, #tpu.memory_space<vmem>> -> memref<128xi32, #tpu.memory_space<vmem>>
        %dma_wait3A_83 = arith.constant 0 : i32
        %dma_wait3A_84 = arith.constant 0 : i32
        %dma_wait3A_85 = tpu.memref_slice %arg2[%dma_wait3A_83, %dma_wait3A_84] : memref<20000x128xf32, #tpu.memory_space<hbm>> -> memref<20000x128xf32, #tpu.memory_space<hbm>>
        tpu.wait_indirect_dma semaphore(%arg13 : memref<!tpu.dma_semaphore, #tpu.memory_space<semaphore_mem>>) src(%dma_wait3A_85 : memref<20000x128xf32, #tpu.memory_space<hbm>>) dst(%arg10 : memref<128x128xf32, #tpu.memory_space<vmem>>)
        %add3A_86 = arith.constant 1 : i32
        %add3A_87 = arith.addi %add3A_59, %add3A_86 : i32
        "tpu.region"() ({
          %run_scoped3A_98 = tpu.sem_alloc : memref<!tpu.dma_semaphore, #tpu.memory_space<semaphore_mem>>
          %dma_start3A_99 = arith.constant 0 : i32
          %dma_start3A_100 = tpu.memref_slice %arg8[%add3A_87, %dma_start3A_99] : memref<40x128xi32, #tpu.memory_space<vmem>> -> memref<1x128xi32, #tpu.memory_space<vmem>>
          %dma_start3A_101 = tpu.memref_squeeze %dma_start3A_100 : memref<1x128xi32, #tpu.memory_space<vmem>> -> memref<128xi32, #tpu.memory_space<vmem>>
          %dma_start3A_102 = arith.constant 0 : i32
          %dma_start3A_103 = arith.constant 0 : i32
          %dma_start3A_104 = tpu.memref_slice %arg11[%dma_start3A_102, %dma_start3A_103] : memref<10112x128xf32, #tpu.memory_space<vmem_shared>> -> memref<10112x128xf32, #tpu.memory_space<vmem_shared>>
          tpu.enqueue_indirect_dma source(%arg10 : memref<128x128xf32, #tpu.memory_space<vmem>>) target(%dma_start3A_104 : memref<10112x128xf32, #tpu.memory_space<vmem_shared>>) offsets(%dma_start3A_101 : memref<128xi32, #tpu.memory_space<vmem>>) semaphore(%run_scoped3A_98 : memref<!tpu.dma_semaphore, #tpu.memory_space<semaphore_mem>>) {add = true}
          %dma_wait3A_105 = arith.constant 0 : i32
          %dma_wait3A_106 = tpu.memref_slice %arg8[%add3A_87, %dma_wait3A_105] : memref<40x128xi32, #tpu.memory_space<vmem>> -> memref<1x128xi32, #tpu.memory_space<vmem>>
          %dma_wait3A_107 = tpu.memref_squeeze %dma_wait3A_106 : memref<1x128xi32, #tpu.memory_space<vmem>> -> memref<128xi32, #tpu.memory_space<vmem>>
          %dma_wait3A_108 = arith.constant 0 : i32
          %dma_wait3A_109 = arith.constant 0 : i32
          %dma_wait3A_110 = tpu.memref_slice %arg11[%dma_wait3A_108, %dma_wait3A_109] : memref<10112x128xf32, #tpu.memory_space<vmem_shared>> -> memref<10112x128xf32, #tpu.memory_space<vmem_shared>>
          tpu.wait_indirect_dma semaphore(%run_scoped3A_98 : memref<!tpu.dma_semaphore, #tpu.memory_space<semaphore_mem>>) src(%arg10 : memref<128x128xf32, #tpu.memory_space<vmem>>) dst(%dma_wait3A_110 : memref<10112x128xf32, #tpu.memory_space<vmem_shared>>)
          tpu.yield
        }) : () -> ()
        %add3A_88 = arith.constant 2 : i32
        %add3A_89 = arith.addi %add3A_59, %add3A_88 : i32
        %add3A_90 = arith.constant 1 : i32
        %add3A_91 = arith.addi %add3A_89, %add3A_90 : i32
        %dma_start3A_92 = arith.constant 0 : i32
        %dma_start3A_93 = tpu.memref_slice %arg7[%add3A_91, %dma_start3A_92] : memref<40x128xi32, #tpu.memory_space<vmem>> -> memref<1x128xi32, #tpu.memory_space<vmem>>
        %dma_start3A_94 = tpu.memref_squeeze %dma_start3A_93 : memref<1x128xi32, #tpu.memory_space<vmem>> -> memref<128xi32, #tpu.memory_space<vmem>>
        %dma_start3A_95 = arith.constant 0 : i32
        %dma_start3A_96 = arith.constant 0 : i32
        %dma_start3A_97 = tpu.memref_slice %arg2[%dma_start3A_95, %dma_start3A_96] : memref<20000x128xf32, #tpu.memory_space<hbm>> -> memref<20000x128xf32, #tpu.memory_space<hbm>>
        tpu.enqueue_indirect_dma source(%dma_start3A_97 : memref<20000x128xf32, #tpu.memory_space<hbm>>) target(%arg10 : memref<128x128xf32, #tpu.memory_space<vmem>>) offsets(%dma_start3A_94 : memref<128xi32, #tpu.memory_space<vmem>>) semaphore(%arg13 : memref<!tpu.dma_semaphore, #tpu.memory_space<semaphore_mem>>)
      }
      %scan3A_40 = arith.constant 19 : i32
      %dma_wait3A = arith.constant 0 : i32
      %dma_wait3A_41 = arith.constant 0 : i32
      %dma_wait3A_42 = tpu.memref_slice %arg7[%dma_wait3A, %dma_wait3A_41] : memref<40x128xi32, #tpu.memory_space<vmem>> -> memref<1x128xi32, #tpu.memory_space<vmem>>
      %dma_wait3A_43 = tpu.memref_squeeze %dma_wait3A_42 : memref<1x128xi32, #tpu.memory_space<vmem>> -> memref<128xi32, #tpu.memory_space<vmem>>
      %dma_wait3A_44 = arith.constant 0 : i32
      %dma_wait3A_45 = arith.constant 0 : i32
      %dma_wait3A_46 = tpu.memref_slice %arg2[%dma_wait3A_44, %dma_wait3A_45] : memref<20000x128xf32, #tpu.memory_space<hbm>> -> memref<20000x128xf32, #tpu.memory_space<hbm>>
      tpu.wait_indirect_dma semaphore(%arg12 : memref<!tpu.dma_semaphore, #tpu.memory_space<semaphore_mem>>) src(%dma_wait3A_46 : memref<20000x128xf32, #tpu.memory_space<hbm>>) dst(%arg9 : memref<128x128xf32, #tpu.memory_space<vmem>>)
      %run_scoped3A = arith.constant 38 : i32
      "tpu.region"() ({
        %run_scoped3A_55 = tpu.sem_alloc : memref<!tpu.dma_semaphore, #tpu.memory_space<semaphore_mem>>
        %dma_start3A_56 = arith.constant 0 : i32
        %dma_start3A_57 = tpu.memref_slice %arg8[%run_scoped3A, %dma_start3A_56] : memref<40x128xi32, #tpu.memory_space<vmem>> -> memref<1x128xi32, #tpu.memory_space<vmem>>
        %dma_start3A_58 = tpu.memref_squeeze %dma_start3A_57 : memref<1x128xi32, #tpu.memory_space<vmem>> -> memref<128xi32, #tpu.memory_space<vmem>>
        %dma_start3A_59 = arith.constant 0 : i32
        %dma_start3A_60 = arith.constant 0 : i32
        %dma_start3A_61 = tpu.memref_slice %arg11[%dma_start3A_59, %dma_start3A_60] : memref<10112x128xf32, #tpu.memory_space<vmem_shared>> -> memref<10112x128xf32, #tpu.memory_space<vmem_shared>>
        tpu.enqueue_indirect_dma source(%arg9 : memref<128x128xf32, #tpu.memory_space<vmem>>) target(%dma_start3A_61 : memref<10112x128xf32, #tpu.memory_space<vmem_shared>>) offsets(%dma_start3A_58 : memref<128xi32, #tpu.memory_space<vmem>>) semaphore(%run_scoped3A_55 : memref<!tpu.dma_semaphore, #tpu.memory_space<semaphore_mem>>) {add = true}
        %dma_wait3A_62 = arith.constant 0 : i32
        %dma_wait3A_63 = tpu.memref_slice %arg8[%run_scoped3A, %dma_wait3A_62] : memref<40x128xi32, #tpu.memory_space<vmem>> -> memref<1x128xi32, #tpu.memory_space<vmem>>
        %dma_wait3A_64 = tpu.memref_squeeze %dma_wait3A_63 : memref<1x128xi32, #tpu.memory_space<vmem>> -> memref<128xi32, #tpu.memory_space<vmem>>
        %dma_wait3A_65 = arith.constant 0 : i32
        %dma_wait3A_66 = arith.constant 0 : i32
        %dma_wait3A_67 = tpu.memref_slice %arg11[%dma_wait3A_65, %dma_wait3A_66] : memref<10112x128xf32, #tpu.memory_space<vmem_shared>> -> memref<10112x128xf32, #tpu.memory_space<vmem_shared>>
        tpu.wait_indirect_dma semaphore(%run_scoped3A_55 : memref<!tpu.dma_semaphore, #tpu.memory_space<semaphore_mem>>) src(%arg9 : memref<128x128xf32, #tpu.memory_space<vmem>>) dst(%dma_wait3A_67 : memref<10112x128xf32, #tpu.memory_space<vmem_shared>>)
        tpu.yield
      }) : () -> ()
      %dma_wait3A_47 = arith.constant 1 : i32
      %dma_wait3A_48 = arith.constant 0 : i32
      %dma_wait3A_49 = tpu.memref_slice %arg7[%dma_wait3A_47, %dma_wait3A_48] : memref<40x128xi32, #tpu.memory_space<vmem>> -> memref<1x128xi32, #tpu.memory_space<vmem>>
      %dma_wait3A_50 = tpu.memref_squeeze %dma_wait3A_49 : memref<1x128xi32, #tpu.memory_space<vmem>> -> memref<128xi32, #tpu.memory_space<vmem>>
      %dma_wait3A_51 = arith.constant 0 : i32
      %dma_wait3A_52 = arith.constant 0 : i32
      %dma_wait3A_53 = tpu.memref_slice %arg2[%dma_wait3A_51, %dma_wait3A_52] : memref<20000x128xf32, #tpu.memory_space<hbm>> -> memref<20000x128xf32, #tpu.memory_space<hbm>>
      tpu.wait_indirect_dma semaphore(%arg13 : memref<!tpu.dma_semaphore, #tpu.memory_space<semaphore_mem>>) src(%dma_wait3A_53 : memref<20000x128xf32, #tpu.memory_space<hbm>>) dst(%arg10 : memref<128x128xf32, #tpu.memory_space<vmem>>)
      %run_scoped3A_54 = arith.constant 39 : i32
      "tpu.region"() ({
        %run_scoped3A_55 = tpu.sem_alloc : memref<!tpu.dma_semaphore, #tpu.memory_space<semaphore_mem>>
        %dma_start3A_56 = arith.constant 0 : i32
        %dma_start3A_57 = tpu.memref_slice %arg8[%run_scoped3A_54, %dma_start3A_56] : memref<40x128xi32, #tpu.memory_space<vmem>> -> memref<1x128xi32, #tpu.memory_space<vmem>>
        %dma_start3A_58 = tpu.memref_squeeze %dma_start3A_57 : memref<1x128xi32, #tpu.memory_space<vmem>> -> memref<128xi32, #tpu.memory_space<vmem>>
        %dma_start3A_59 = arith.constant 0 : i32
        %dma_start3A_60 = arith.constant 0 : i32
        %dma_start3A_61 = tpu.memref_slice %arg11[%dma_start3A_59, %dma_start3A_60] : memref<10112x128xf32, #tpu.memory_space<vmem_shared>> -> memref<10112x128xf32, #tpu.memory_space<vmem_shared>>
        tpu.enqueue_indirect_dma source(%arg10 : memref<128x128xf32, #tpu.memory_space<vmem>>) target(%dma_start3A_61 : memref<10112x128xf32, #tpu.memory_space<vmem_shared>>) offsets(%dma_start3A_58 : memref<128xi32, #tpu.memory_space<vmem>>) semaphore(%run_scoped3A_55 : memref<!tpu.dma_semaphore, #tpu.memory_space<semaphore_mem>>) {add = true}
        %dma_wait3A_62 = arith.constant 0 : i32
        %dma_wait3A_63 = tpu.memref_slice %arg8[%run_scoped3A_54, %dma_wait3A_62] : memref<40x128xi32, #tpu.memory_space<vmem>> -> memref<1x128xi32, #tpu.memory_space<vmem>>
        %dma_wait3A_64 = tpu.memref_squeeze %dma_wait3A_63 : memref<1x128xi32, #tpu.memory_space<vmem>> -> memref<128xi32, #tpu.memory_space<vmem>>
        %dma_wait3A_65 = arith.constant 0 : i32
        %dma_wait3A_66 = arith.constant 0 : i32
        %dma_wait3A_67 = tpu.memref_slice %arg11[%dma_wait3A_65, %dma_wait3A_66] : memref<10112x128xf32, #tpu.memory_space<vmem_shared>> -> memref<10112x128xf32, #tpu.memory_space<vmem_shared>>
        tpu.wait_indirect_dma semaphore(%run_scoped3A_55 : memref<!tpu.dma_semaphore, #tpu.memory_space<semaphore_mem>>) src(%arg10 : memref<128x128xf32, #tpu.memory_space<vmem>>) dst(%dma_wait3A_67 : memref<10112x128xf32, #tpu.memory_space<vmem_shared>>)
        tpu.yield
      }) : () -> ()
    }
    %scan3A_8 = arith.constant 2 : i32
    %barrier3A_9 = arith.constant 0 : index
    tpu.barrier barrier_id(%barrier3A_9)
    %mul3A_10 = arith.constant 632 : i32
    %mul3A_11 = arith.muli %arg1, %mul3A_10 : i32
    %mul3A_12 = arith.constant 632 : i32
    %mul3A_13 = arith.muli %arg1, %mul3A_12 : i32
    "tpu.region"() ({
      %run_scoped3A = tpu.sem_alloc : memref<!tpu.dma_semaphore, #tpu.memory_space<semaphore_mem>>
      %dma_start3A = arith.constant 0 : i32
      %dma_start3A_14 = tpu.memref_slice %arg6[%arg0, %mul3A_13, %dma_start3A] : memref<2x10112x128xf32, #tpu.memory_space<hbm>> -> memref<1x632x128xf32, #tpu.memory_space<hbm>>
      %dma_start3A_15 = tpu.memref_squeeze %dma_start3A_14 : memref<1x632x128xf32, #tpu.memory_space<hbm>> -> memref<632x128xf32, #tpu.memory_space<hbm>>
      %dma_start3A_16 = arith.constant 0 : i32
      %dma_start3A_17 = tpu.memref_slice %arg11[%mul3A_11, %dma_start3A_16] : memref<10112x128xf32, #tpu.memory_space<vmem_shared>> -> memref<632x128xf32, #tpu.memory_space<vmem_shared>>
      tpu.enqueue_dma source(%dma_start3A_17 : memref<632x128xf32, #tpu.memory_space<vmem_shared>>) target(%dma_start3A_15 : memref<632x128xf32, #tpu.memory_space<hbm>>) target_semaphore(%run_scoped3A : memref<!tpu.dma_semaphore, #tpu.memory_space<semaphore_mem>>)
      %dma_wait3A = arith.constant 0 : i32
      %dma_wait3A_18 = tpu.memref_slice %arg6[%arg0, %mul3A_13, %dma_wait3A] : memref<2x10112x128xf32, #tpu.memory_space<hbm>> -> memref<1x632x128xf32, #tpu.memory_space<hbm>>
      %dma_wait3A_19 = tpu.memref_squeeze %dma_wait3A_18 : memref<1x632x128xf32, #tpu.memory_space<hbm>> -> memref<632x128xf32, #tpu.memory_space<hbm>>
      %dma_wait3A_20 = arith.constant 0 : i32
      %dma_wait3A_21 = tpu.memref_slice %arg11[%mul3A_11, %dma_wait3A_20] : memref<10112x128xf32, #tpu.memory_space<vmem_shared>> -> memref<632x128xf32, #tpu.memory_space<vmem_shared>>
      tpu.wait_dma2 semaphore(%run_scoped3A : memref<!tpu.dma_semaphore, #tpu.memory_space<semaphore_mem>>) src(%dma_wait3A_21 : memref<632x128xf32, #tpu.memory_space<vmem_shared>>) dst(%dma_wait3A_19 : memref<632x128xf32, #tpu.memory_space<hbm>>)
      tpu.yield
    }) : () -> ()
    return
  }
}

#map = affine_map<(d0, d1) -> (0, 0)>
#map1 = affine_map<(d0, d1) -> (0, 0, 0)>
module attributes {stable_mosaic.version = 14 : i64} {
  func.func @_seg_body(%arg0: i32, %arg1: i32, %arg2: memref<20000x128xf32, #tpu.memory_space<hbm>>, %arg3: memref<32x80x128xi32, #tpu.memory_space<hbm>>, %arg4: memref<16x80x128xi32, #tpu.memory_space<hbm>>, %arg5: memref<10112x128xf32, #tpu.memory_space<hbm>>, %arg6: memref<2x10112x128xf32, #tpu.memory_space<hbm>>, %arg7: memref<40x128xi32, #tpu.memory_space<vmem>>, %arg8: memref<40x128xi32, #tpu.memory_space<vmem>>, %arg9: memref<128x128xf32, #tpu.memory_space<vmem>>, %arg10: memref<128x128xf32, #tpu.memory_space<vmem>>, %arg11: memref<10112x128xf32, #tpu.memory_space<vmem_shared>>, %arg12: memref<!tpu.dma_semaphore, #tpu.memory_space<semaphore_mem>>, %arg13: memref<!tpu.dma_semaphore, #tpu.memory_space<semaphore_mem>>) attributes {dimension_semantics = [#tpu.dimension_semantics<core_parallel>, #tpu.dimension_semantics<subcore_parallel>], iteration_bounds = array<i64: 2, 16>, scalar_prefetch = 0 : i64, scratch_operands = 7 : i64, tpu.core_type = #tpu.core_type<sc_vector_subcore>, window_params = [{transform_indices = #map}, {transform_indices = #map1}, {transform_indices = #map1}, {transform_indices = #map}, {transform_indices = #map1}]} {
    %mul3A = arith.constant 16 : i32
    %mul3A_0 = arith.muli %arg0, %mul3A : i32
    %add3A = arith.addi %mul3A_0, %arg1 : i32
    %mul3A_1 = arith.constant 632 : i32
    %mul3A_2 = arith.muli %arg1, %mul3A_1 : i32
    %mul3A_3 = arith.constant 632 : i32
    %mul3A_4 = arith.muli %arg1, %mul3A_3 : i32
    "tpu.region"() ({
      %run_scoped3A = tpu.sem_alloc : memref<!tpu.dma_semaphore, #tpu.memory_space<semaphore_mem>>
      %dma_start3A = arith.constant 0 : i32
      %dma_start3A_14 = tpu.memref_slice %arg11[%mul3A_4, %dma_start3A] : memref<10112x128xf32, #tpu.memory_space<vmem_shared>> -> memref<632x128xf32, #tpu.memory_space<vmem_shared>>
      %dma_start3A_15 = arith.constant 0 : i32
      %dma_start3A_16 = tpu.memref_slice %arg5[%mul3A_2, %dma_start3A_15] : memref<10112x128xf32, #tpu.memory_space<hbm>> -> memref<632x128xf32, #tpu.memory_space<hbm>>
      tpu.enqueue_dma source(%dma_start3A_16 : memref<632x128xf32, #tpu.memory_space<hbm>>) target(%dma_start3A_14 : memref<632x128xf32, #tpu.memory_space<vmem_shared>>) target_semaphore(%run_scoped3A : memref<!tpu.dma_semaphore, #tpu.memory_space<semaphore_mem>>)
      %dma_wait3A = arith.constant 0 : i32
      %dma_wait3A_17 = tpu.memref_slice %arg11[%mul3A_4, %dma_wait3A] : memref<10112x128xf32, #tpu.memory_space<vmem_shared>> -> memref<632x128xf32, #tpu.memory_space<vmem_shared>>
      %dma_wait3A_18 = arith.constant 0 : i32
      %dma_wait3A_19 = tpu.memref_slice %arg5[%mul3A_2, %dma_wait3A_18] : memref<10112x128xf32, #tpu.memory_space<hbm>> -> memref<632x128xf32, #tpu.memory_space<hbm>>
      tpu.wait_dma2 semaphore(%run_scoped3A : memref<!tpu.dma_semaphore, #tpu.memory_space<semaphore_mem>>) src(%dma_wait3A_19 : memref<632x128xf32, #tpu.memory_space<hbm>>) dst(%dma_wait3A_17 : memref<632x128xf32, #tpu.memory_space<vmem_shared>>)
      tpu.yield
    }) : () -> ()
    %barrier3A = arith.constant 0 : index
    tpu.barrier barrier_id(%barrier3A)
    %scan3A = arith.constant 0 : i32
    %scan3A_5 = arith.constant 2 : i32
    %scan3A_6 = arith.addi %scan3A, %scan3A_5 : i32
    %scan3A_7 = arith.constant 1 : i32
    scf.for %scan3A_14 = %scan3A to %scan3A_6 step %scan3A_7  : i32 {
      %mul3A_15 = arith.constant 1 : i32
      %mul3A_16 = arith.muli %scan3A_14, %mul3A_15 : i32
      %add3A_17 = arith.constant 0 : i32
      %add3A_18 = arith.addi %add3A_17, %mul3A_16 : i32
      %mul3A_19 = arith.constant 40 : i32
      %mul3A_20 = arith.muli %add3A_18, %mul3A_19 : i32
      "tpu.region"() ({
        %run_scoped3A_55 = tpu.sem_alloc : memref<!tpu.dma_semaphore, #tpu.memory_space<semaphore_mem>>
        %dma_start3A_56 = arith.constant 0 : i32
        %dma_start3A_57 = tpu.memref_slice %arg3[%add3A, %mul3A_20, %dma_start3A_56] : memref<32x80x128xi32, #tpu.memory_space<hbm>> -> memref<1x40x128xi32, #tpu.memory_space<hbm>>
        %dma_start3A_58 = tpu.memref_squeeze %dma_start3A_57 : memref<1x40x128xi32, #tpu.memory_space<hbm>> -> memref<40x128xi32, #tpu.memory_space<hbm>>
        %dma_start3A_59 = arith.constant 0 : i32
        %dma_start3A_60 = tpu.memref_slice %arg3[%add3A, %mul3A_20, %dma_start3A_59] : memref<32x80x128xi32, #tpu.memory_space<hbm>> -> memref<1x40x128xi32, #tpu.memory_space<hbm>>
        %dma_start3A_61 = tpu.memref_squeeze %dma_start3A_60 : memref<1x40x128xi32, #tpu.memory_space<hbm>> -> memref<40x128xi32, #tpu.memory_space<hbm>>
        tpu.enqueue_dma source(%dma_start3A_61 : memref<40x128xi32, #tpu.memory_space<hbm>>) target(%arg7 : memref<40x128xi32, #tpu.memory_space<vmem>>) target_semaphore(%run_scoped3A_55 : memref<!tpu.dma_semaphore, #tpu.memory_space<semaphore_mem>>)
        %dma_wait3A_62 = arith.constant 0 : i32
        %dma_wait3A_63 = tpu.memref_slice %arg3[%add3A, %mul3A_20, %dma_wait3A_62] : memref<32x80x128xi32, #tpu.memory_space<hbm>> -> memref<1x40x128xi32, #tpu.memory_space<hbm>>
        %dma_wait3A_64 = tpu.memref_squeeze %dma_wait3A_63 : memref<1x40x128xi32, #tpu.memory_space<hbm>> -> memref<40x128xi32, #tpu.memory_space<hbm>>
        %dma_wait3A_65 = arith.constant 0 : i32
        %dma_wait3A_66 = tpu.memref_slice %arg3[%add3A, %mul3A_20, %dma_wait3A_65] : memref<32x80x128xi32, #tpu.memory_space<hbm>> -> memref<1x40x128xi32, #tpu.memory_space<hbm>>
        %dma_wait3A_67 = tpu.memref_squeeze %dma_wait3A_66 : memref<1x40x128xi32, #tpu.memory_space<hbm>> -> memref<40x128xi32, #tpu.memory_space<hbm>>
        tpu.wait_dma2 semaphore(%run_scoped3A_55 : memref<!tpu.dma_semaphore, #tpu.memory_space<semaphore_mem>>) src(%dma_wait3A_67 : memref<40x128xi32, #tpu.memory_space<hbm>>) dst(%arg7 : memref<40x128xi32, #tpu.memory_space<vmem>>)
        tpu.yield
      }) : () -> ()
      %mul3A_21 = arith.constant 40 : i32
      %mul3A_22 = arith.muli %add3A_18, %mul3A_21 : i32
      "tpu.region"() ({
        %run_scoped3A_55 = tpu.sem_alloc : memref<!tpu.dma_semaphore, #tpu.memory_space<semaphore_mem>>
        %dma_start3A_56 = arith.constant 0 : i32
        %dma_start3A_57 = tpu.memref_slice %arg4[%arg1, %mul3A_22, %dma_start3A_56] : memref<16x80x128xi32, #tpu.memory_space<hbm>> -> memref<1x40x128xi32, #tpu.memory_space<hbm>>
        %dma_start3A_58 = tpu.memref_squeeze %dma_start3A_57 : memref<1x40x128xi32, #tpu.memory_space<hbm>> -> memref<40x128xi32, #tpu.memory_space<hbm>>
        %dma_start3A_59 = arith.constant 0 : i32
        %dma_start3A_60 = tpu.memref_slice %arg4[%arg1, %mul3A_22, %dma_start3A_59] : memref<16x80x128xi32, #tpu.memory_space<hbm>> -> memref<1x40x128xi32, #tpu.memory_space<hbm>>
        %dma_start3A_61 = tpu.memref_squeeze %dma_start3A_60 : memref<1x40x128xi32, #tpu.memory_space<hbm>> -> memref<40x128xi32, #tpu.memory_space<hbm>>
        tpu.enqueue_dma source(%dma_start3A_61 : memref<40x128xi32, #tpu.memory_space<hbm>>) target(%arg8 : memref<40x128xi32, #tpu.memory_space<vmem>>) target_semaphore(%run_scoped3A_55 : memref<!tpu.dma_semaphore, #tpu.memory_space<semaphore_mem>>)
        %dma_wait3A_62 = arith.constant 0 : i32
        %dma_wait3A_63 = tpu.memref_slice %arg4[%arg1, %mul3A_22, %dma_wait3A_62] : memref<16x80x128xi32, #tpu.memory_space<hbm>> -> memref<1x40x128xi32, #tpu.memory_space<hbm>>
        %dma_wait3A_64 = tpu.memref_squeeze %dma_wait3A_63 : memref<1x40x128xi32, #tpu.memory_space<hbm>> -> memref<40x128xi32, #tpu.memory_space<hbm>>
        %dma_wait3A_65 = arith.constant 0 : i32
        %dma_wait3A_66 = tpu.memref_slice %arg4[%arg1, %mul3A_22, %dma_wait3A_65] : memref<16x80x128xi32, #tpu.memory_space<hbm>> -> memref<1x40x128xi32, #tpu.memory_space<hbm>>
        %dma_wait3A_67 = tpu.memref_squeeze %dma_wait3A_66 : memref<1x40x128xi32, #tpu.memory_space<hbm>> -> memref<40x128xi32, #tpu.memory_space<hbm>>
        tpu.wait_dma2 semaphore(%run_scoped3A_55 : memref<!tpu.dma_semaphore, #tpu.memory_space<semaphore_mem>>) src(%dma_wait3A_67 : memref<40x128xi32, #tpu.memory_space<hbm>>) dst(%arg8 : memref<40x128xi32, #tpu.memory_space<vmem>>)
        tpu.yield
      }) : () -> ()
      %dma_start3A = arith.constant 0 : i32
      %dma_start3A_23 = arith.constant 0 : i32
      %dma_start3A_24 = tpu.memref_slice %arg7[%dma_start3A, %dma_start3A_23] : memref<40x128xi32, #tpu.memory_space<vmem>> -> memref<1x128xi32, #tpu.memory_space<vmem>>
      %dma_start3A_25 = tpu.memref_squeeze %dma_start3A_24 : memref<1x128xi32, #tpu.memory_space<vmem>> -> memref<128xi32, #tpu.memory_space<vmem>>
      %dma_start3A_26 = arith.constant 0 : i32
      %dma_start3A_27 = arith.constant 0 : i32
      %dma_start3A_28 = tpu.memref_slice %arg2[%dma_start3A_26, %dma_start3A_27] : memref<20000x128xf32, #tpu.memory_space<hbm>> -> memref<20000x128xf32, #tpu.memory_space<hbm>>
      tpu.enqueue_indirect_dma source(%dma_start3A_28 : memref<20000x128xf32, #tpu.memory_space<hbm>>) target(%arg9 : memref<128x128xf32, #tpu.memory_space<vmem>>) offsets(%dma_start3A_25 : memref<128xi32, #tpu.memory_space<vmem>>) semaphore(%arg12 : memref<!tpu.dma_semaphore, #tpu.memory_space<semaphore_mem>>)
      %dma_start3A_29 = arith.constant 1 : i32
      %dma_start3A_30 = arith.constant 0 : i32
      %dma_start3A_31 = tpu.memref_slice %arg7[%dma_start3A_29, %dma_start3A_30] : memref<40x128xi32, #tpu.memory_space<vmem>> -> memref<1x128xi32, #tpu.memory_space<vmem>>
      %dma_start3A_32 = tpu.memref_squeeze %dma_start3A_31 : memref<1x128xi32, #tpu.memory_space<vmem>> -> memref<128xi32, #tpu.memory_space<vmem>>
      %dma_start3A_33 = arith.constant 0 : i32
      %dma_start3A_34 = arith.constant 0 : i32
      %dma_start3A_35 = tpu.memref_slice %arg2[%dma_start3A_33, %dma_start3A_34] : memref<20000x128xf32, #tpu.memory_space<hbm>> -> memref<20000x128xf32, #tpu.memory_space<hbm>>
      tpu.enqueue_indirect_dma source(%dma_start3A_35 : memref<20000x128xf32, #tpu.memory_space<hbm>>) target(%arg10 : memref<128x128xf32, #tpu.memory_space<vmem>>) offsets(%dma_start3A_32 : memref<128xi32, #tpu.memory_space<vmem>>) semaphore(%arg13 : memref<!tpu.dma_semaphore, #tpu.memory_space<semaphore_mem>>)
      %scan3A_36 = arith.constant 0 : i32
      %scan3A_37 = arith.constant 19 : i32
      %scan3A_38 = arith.addi %scan3A_36, %scan3A_37 : i32
      %scan3A_39 = arith.constant 1 : i32
      scf.for %scan3A_55 = %scan3A_36 to %scan3A_38 step %scan3A_39  : i32 {
        %mul3A_56 = arith.constant 2 : i32
        %mul3A_57 = arith.muli %scan3A_55, %mul3A_56 : i32
        %add3A_58 = arith.constant 0 : i32
        %add3A_59 = arith.addi %add3A_58, %mul3A_57 : i32
        %dma_wait3A_60 = arith.constant 0 : i32
        %dma_wait3A_61 = arith.constant 0 : i32
        %dma_wait3A_62 = tpu.memref_slice %arg7[%dma_wait3A_60, %dma_wait3A_61] : memref<40x128xi32, #tpu.memory_space<vmem>> -> memref<1x128xi32, #tpu.memory_space<vmem>>
        %dma_wait3A_63 = tpu.memref_squeeze %dma_wait3A_62 : memref<1x128xi32, #tpu.memory_space<vmem>> -> memref<128xi32, #tpu.memory_space<vmem>>
        %dma_wait3A_64 = arith.constant 0 : i32
        %dma_wait3A_65 = arith.constant 0 : i32
        %dma_wait3A_66 = tpu.memref_slice %arg2[%dma_wait3A_64, %dma_wait3A_65] : memref<20000x128xf32, #tpu.memory_space<hbm>> -> memref<20000x128xf32, #tpu.memory_space<hbm>>
        tpu.wait_indirect_dma semaphore(%arg12 : memref<!tpu.dma_semaphore, #tpu.memory_space<semaphore_mem>>) src(%dma_wait3A_66 : memref<20000x128xf32, #tpu.memory_space<hbm>>) dst(%arg9 : memref<128x128xf32, #tpu.memory_space<vmem>>)
        %add3A_67 = arith.constant 0 : i32
        %add3A_68 = arith.addi %add3A_59, %add3A_67 : i32
        "tpu.region"() ({
          %run_scoped3A_98 = tpu.sem_alloc : memref<!tpu.dma_semaphore, #tpu.memory_space<semaphore_mem>>
          %dma_start3A_99 = arith.constant 0 : i32
          %dma_start3A_100 = tpu.memref_slice %arg8[%add3A_68, %dma_start3A_99] : memref<40x128xi32, #tpu.memory_space<vmem>> -> memref<1x128xi32, #tpu.memory_space<vmem>>
          %dma_start3A_101 = tpu.memref_squeeze %dma_start3A_100 : memref<1x128xi32, #tpu.memory_space<vmem>> -> memref<128xi32, #tpu.memory_space<vmem>>
          %dma_start3A_102 = arith.constant 0 : i32
          %dma_start3A_103 = arith.constant 0 : i32
          %dma_start3A_104 = tpu.memref_slice %arg11[%dma_start3A_102, %dma_start3A_103] : memref<10112x128xf32, #tpu.memory_space<vmem_shared>> -> memref<10112x128xf32, #tpu.memory_space<vmem_shared>>
          tpu.enqueue_indirect_dma source(%arg9 : memref<128x128xf32, #tpu.memory_space<vmem>>) target(%dma_start3A_104 : memref<10112x128xf32, #tpu.memory_space<vmem_shared>>) offsets(%dma_start3A_101 : memref<128xi32, #tpu.memory_space<vmem>>) semaphore(%run_scoped3A_98 : memref<!tpu.dma_semaphore, #tpu.memory_space<semaphore_mem>>) {add = true}
          %dma_wait3A_105 = arith.constant 0 : i32
          %dma_wait3A_106 = tpu.memref_slice %arg8[%add3A_68, %dma_wait3A_105] : memref<40x128xi32, #tpu.memory_space<vmem>> -> memref<1x128xi32, #tpu.memory_space<vmem>>
          %dma_wait3A_107 = tpu.memref_squeeze %dma_wait3A_106 : memref<1x128xi32, #tpu.memory_space<vmem>> -> memref<128xi32, #tpu.memory_space<vmem>>
          %dma_wait3A_108 = arith.constant 0 : i32
          %dma_wait3A_109 = arith.constant 0 : i32
          %dma_wait3A_110 = tpu.memref_slice %arg11[%dma_wait3A_108, %dma_wait3A_109] : memref<10112x128xf32, #tpu.memory_space<vmem_shared>> -> memref<10112x128xf32, #tpu.memory_space<vmem_shared>>
          tpu.wait_indirect_dma semaphore(%run_scoped3A_98 : memref<!tpu.dma_semaphore, #tpu.memory_space<semaphore_mem>>) src(%arg9 : memref<128x128xf32, #tpu.memory_space<vmem>>) dst(%dma_wait3A_110 : memref<10112x128xf32, #tpu.memory_space<vmem_shared>>)
          tpu.yield
        }) : () -> ()
        %add3A_69 = arith.constant 2 : i32
        %add3A_70 = arith.addi %add3A_59, %add3A_69 : i32
        %add3A_71 = arith.constant 0 : i32
        %add3A_72 = arith.addi %add3A_70, %add3A_71 : i32
        %dma_start3A_73 = arith.constant 0 : i32
        %dma_start3A_74 = tpu.memref_slice %arg7[%add3A_72, %dma_start3A_73] : memref<40x128xi32, #tpu.memory_space<vmem>> -> memref<1x128xi32, #tpu.memory_space<vmem>>
        %dma_start3A_75 = tpu.memref_squeeze %dma_start3A_74 : memref<1x128xi32, #tpu.memory_space<vmem>> -> memref<128xi32, #tpu.memory_space<vmem>>
        %dma_start3A_76 = arith.constant 0 : i32
        %dma_start3A_77 = arith.constant 0 : i32
        %dma_start3A_78 = tpu.memref_slice %arg2[%dma_start3A_76, %dma_start3A_77] : memref<20000x128xf32, #tpu.memory_space<hbm>> -> memref<20000x128xf32, #tpu.memory_space<hbm>>
        tpu.enqueue_indirect_dma source(%dma_start3A_78 : memref<20000x128xf32, #tpu.memory_space<hbm>>) target(%arg9 : memref<128x128xf32, #tpu.memory_space<vmem>>) offsets(%dma_start3A_75 : memref<128xi32, #tpu.memory_space<vmem>>) semaphore(%arg12 : memref<!tpu.dma_semaphore, #tpu.memory_space<semaphore_mem>>)
        %dma_wait3A_79 = arith.constant 1 : i32
        %dma_wait3A_80 = arith.constant 0 : i32
        %dma_wait3A_81 = tpu.memref_slice %arg7[%dma_wait3A_79, %dma_wait3A_80] : memref<40x128xi32, #tpu.memory_space<vmem>> -> memref<1x128xi32, #tpu.memory_space<vmem>>
        %dma_wait3A_82 = tpu.memref_squeeze %dma_wait3A_81 : memref<1x128xi32, #tpu.memory_space<vmem>> -> memref<128xi32, #tpu.memory_space<vmem>>
        %dma_wait3A_83 = arith.constant 0 : i32
        %dma_wait3A_84 = arith.constant 0 : i32
        %dma_wait3A_85 = tpu.memref_slice %arg2[%dma_wait3A_83, %dma_wait3A_84] : memref<20000x128xf32, #tpu.memory_space<hbm>> -> memref<20000x128xf32, #tpu.memory_space<hbm>>
        tpu.wait_indirect_dma semaphore(%arg13 : memref<!tpu.dma_semaphore, #tpu.memory_space<semaphore_mem>>) src(%dma_wait3A_85 : memref<20000x128xf32, #tpu.memory_space<hbm>>) dst(%arg10 : memref<128x128xf32, #tpu.memory_space<vmem>>)
        %add3A_86 = arith.constant 1 : i32
        %add3A_87 = arith.addi %add3A_59, %add3A_86 : i32
        "tpu.region"() ({
          %run_scoped3A_98 = tpu.sem_alloc : memref<!tpu.dma_semaphore, #tpu.memory_space<semaphore_mem>>
          %dma_start3A_99 = arith.constant 0 : i32
          %dma_start3A_100 = tpu.memref_slice %arg8[%add3A_87, %dma_start3A_99] : memref<40x128xi32, #tpu.memory_space<vmem>> -> memref<1x128xi32, #tpu.memory_space<vmem>>
          %dma_start3A_101 = tpu.memref_squeeze %dma_start3A_100 : memref<1x128xi32, #tpu.memory_space<vmem>> -> memref<128xi32, #tpu.memory_space<vmem>>
          %dma_start3A_102 = arith.constant 0 : i32
          %dma_start3A_103 = arith.constant 0 : i32
          %dma_start3A_104 = tpu.memref_slice %arg11[%dma_start3A_102, %dma_start3A_103] : memref<10112x128xf32, #tpu.memory_space<vmem_shared>> -> memref<10112x128xf32, #tpu.memory_space<vmem_shared>>
          tpu.enqueue_indirect_dma source(%arg10 : memref<128x128xf32, #tpu.memory_space<vmem>>) target(%dma_start3A_104 : memref<10112x128xf32, #tpu.memory_space<vmem_shared>>) offsets(%dma_start3A_101 : memref<128xi32, #tpu.memory_space<vmem>>) semaphore(%run_scoped3A_98 : memref<!tpu.dma_semaphore, #tpu.memory_space<semaphore_mem>>) {add = true}
          %dma_wait3A_105 = arith.constant 0 : i32
          %dma_wait3A_106 = tpu.memref_slice %arg8[%add3A_87, %dma_wait3A_105] : memref<40x128xi32, #tpu.memory_space<vmem>> -> memref<1x128xi32, #tpu.memory_space<vmem>>
          %dma_wait3A_107 = tpu.memref_squeeze %dma_wait3A_106 : memref<1x128xi32, #tpu.memory_space<vmem>> -> memref<128xi32, #tpu.memory_space<vmem>>
          %dma_wait3A_108 = arith.constant 0 : i32
          %dma_wait3A_109 = arith.constant 0 : i32
          %dma_wait3A_110 = tpu.memref_slice %arg11[%dma_wait3A_108, %dma_wait3A_109] : memref<10112x128xf32, #tpu.memory_space<vmem_shared>> -> memref<10112x128xf32, #tpu.memory_space<vmem_shared>>
          tpu.wait_indirect_dma semaphore(%run_scoped3A_98 : memref<!tpu.dma_semaphore, #tpu.memory_space<semaphore_mem>>) src(%arg10 : memref<128x128xf32, #tpu.memory_space<vmem>>) dst(%dma_wait3A_110 : memref<10112x128xf32, #tpu.memory_space<vmem_shared>>)
          tpu.yield
        }) : () -> ()
        %add3A_88 = arith.constant 2 : i32
        %add3A_89 = arith.addi %add3A_59, %add3A_88 : i32
        %add3A_90 = arith.constant 1 : i32
        %add3A_91 = arith.addi %add3A_89, %add3A_90 : i32
        %dma_start3A_92 = arith.constant 0 : i32
        %dma_start3A_93 = tpu.memref_slice %arg7[%add3A_91, %dma_start3A_92] : memref<40x128xi32, #tpu.memory_space<vmem>> -> memref<1x128xi32, #tpu.memory_space<vmem>>
        %dma_start3A_94 = tpu.memref_squeeze %dma_start3A_93 : memref<1x128xi32, #tpu.memory_space<vmem>> -> memref<128xi32, #tpu.memory_space<vmem>>
        %dma_start3A_95 = arith.constant 0 : i32
        %dma_start3A_96 = arith.constant 0 : i32
        %dma_start3A_97 = tpu.memref_slice %arg2[%dma_start3A_95, %dma_start3A_96] : memref<20000x128xf32, #tpu.memory_space<hbm>> -> memref<20000x128xf32, #tpu.memory_space<hbm>>
        tpu.enqueue_indirect_dma source(%dma_start3A_97 : memref<20000x128xf32, #tpu.memory_space<hbm>>) target(%arg10 : memref<128x128xf32, #tpu.memory_space<vmem>>) offsets(%dma_start3A_94 : memref<128xi32, #tpu.memory_space<vmem>>) semaphore(%arg13 : memref<!tpu.dma_semaphore, #tpu.memory_space<semaphore_mem>>)
      }
      %scan3A_40 = arith.constant 19 : i32
      %dma_wait3A = arith.constant 0 : i32
      %dma_wait3A_41 = arith.constant 0 : i32
      %dma_wait3A_42 = tpu.memref_slice %arg7[%dma_wait3A, %dma_wait3A_41] : memref<40x128xi32, #tpu.memory_space<vmem>> -> memref<1x128xi32, #tpu.memory_space<vmem>>
      %dma_wait3A_43 = tpu.memref_squeeze %dma_wait3A_42 : memref<1x128xi32, #tpu.memory_space<vmem>> -> memref<128xi32, #tpu.memory_space<vmem>>
      %dma_wait3A_44 = arith.constant 0 : i32
      %dma_wait3A_45 = arith.constant 0 : i32
      %dma_wait3A_46 = tpu.memref_slice %arg2[%dma_wait3A_44, %dma_wait3A_45] : memref<20000x128xf32, #tpu.memory_space<hbm>> -> memref<20000x128xf32, #tpu.memory_space<hbm>>
      tpu.wait_indirect_dma semaphore(%arg12 : memref<!tpu.dma_semaphore, #tpu.memory_space<semaphore_mem>>) src(%dma_wait3A_46 : memref<20000x128xf32, #tpu.memory_space<hbm>>) dst(%arg9 : memref<128x128xf32, #tpu.memory_space<vmem>>)
      %run_scoped3A = arith.constant 38 : i32
      "tpu.region"() ({
        %run_scoped3A_55 = tpu.sem_alloc : memref<!tpu.dma_semaphore, #tpu.memory_space<semaphore_mem>>
        %dma_start3A_56 = arith.constant 0 : i32
        %dma_start3A_57 = tpu.memref_slice %arg8[%run_scoped3A, %dma_start3A_56] : memref<40x128xi32, #tpu.memory_space<vmem>> -> memref<1x128xi32, #tpu.memory_space<vmem>>
        %dma_start3A_58 = tpu.memref_squeeze %dma_start3A_57 : memref<1x128xi32, #tpu.memory_space<vmem>> -> memref<128xi32, #tpu.memory_space<vmem>>
        %dma_start3A_59 = arith.constant 0 : i32
        %dma_start3A_60 = arith.constant 0 : i32
        %dma_start3A_61 = tpu.memref_slice %arg11[%dma_start3A_59, %dma_start3A_60] : memref<10112x128xf32, #tpu.memory_space<vmem_shared>> -> memref<10112x128xf32, #tpu.memory_space<vmem_shared>>
        tpu.enqueue_indirect_dma source(%arg9 : memref<128x128xf32, #tpu.memory_space<vmem>>) target(%dma_start3A_61 : memref<10112x128xf32, #tpu.memory_space<vmem_shared>>) offsets(%dma_start3A_58 : memref<128xi32, #tpu.memory_space<vmem>>) semaphore(%run_scoped3A_55 : memref<!tpu.dma_semaphore, #tpu.memory_space<semaphore_mem>>) {add = true}
        %dma_wait3A_62 = arith.constant 0 : i32
        %dma_wait3A_63 = tpu.memref_slice %arg8[%run_scoped3A, %dma_wait3A_62] : memref<40x128xi32, #tpu.memory_space<vmem>> -> memref<1x128xi32, #tpu.memory_space<vmem>>
        %dma_wait3A_64 = tpu.memref_squeeze %dma_wait3A_63 : memref<1x128xi32, #tpu.memory_space<vmem>> -> memref<128xi32, #tpu.memory_space<vmem>>
        %dma_wait3A_65 = arith.constant 0 : i32
        %dma_wait3A_66 = arith.constant 0 : i32
        %dma_wait3A_67 = tpu.memref_slice %arg11[%dma_wait3A_65, %dma_wait3A_66] : memref<10112x128xf32, #tpu.memory_space<vmem_shared>> -> memref<10112x128xf32, #tpu.memory_space<vmem_shared>>
        tpu.wait_indirect_dma semaphore(%run_scoped3A_55 : memref<!tpu.dma_semaphore, #tpu.memory_space<semaphore_mem>>) src(%arg9 : memref<128x128xf32, #tpu.memory_space<vmem>>) dst(%dma_wait3A_67 : memref<10112x128xf32, #tpu.memory_space<vmem_shared>>)
        tpu.yield
      }) : () -> ()
      %dma_wait3A_47 = arith.constant 1 : i32
      %dma_wait3A_48 = arith.constant 0 : i32
      %dma_wait3A_49 = tpu.memref_slice %arg7[%dma_wait3A_47, %dma_wait3A_48] : memref<40x128xi32, #tpu.memory_space<vmem>> -> memref<1x128xi32, #tpu.memory_space<vmem>>
      %dma_wait3A_50 = tpu.memref_squeeze %dma_wait3A_49 : memref<1x128xi32, #tpu.memory_space<vmem>> -> memref<128xi32, #tpu.memory_space<vmem>>
      %dma_wait3A_51 = arith.constant 0 : i32
      %dma_wait3A_52 = arith.constant 0 : i32
      %dma_wait3A_53 = tpu.memref_slice %arg2[%dma_wait3A_51, %dma_wait3A_52] : memref<20000x128xf32, #tpu.memory_space<hbm>> -> memref<20000x128xf32, #tpu.memory_space<hbm>>
      tpu.wait_indirect_dma semaphore(%arg13 : memref<!tpu.dma_semaphore, #tpu.memory_space<semaphore_mem>>) src(%dma_wait3A_53 : memref<20000x128xf32, #tpu.memory_space<hbm>>) dst(%arg10 : memref<128x128xf32, #tpu.memory_space<vmem>>)
      %run_scoped3A_54 = arith.constant 39 : i32
      "tpu.region"() ({
        %run_scoped3A_55 = tpu.sem_alloc : memref<!tpu.dma_semaphore, #tpu.memory_space<semaphore_mem>>
        %dma_start3A_56 = arith.constant 0 : i32
        %dma_start3A_57 = tpu.memref_slice %arg8[%run_scoped3A_54, %dma_start3A_56] : memref<40x128xi32, #tpu.memory_space<vmem>> -> memref<1x128xi32, #tpu.memory_space<vmem>>
        %dma_start3A_58 = tpu.memref_squeeze %dma_start3A_57 : memref<1x128xi32, #tpu.memory_space<vmem>> -> memref<128xi32, #tpu.memory_space<vmem>>
        %dma_start3A_59 = arith.constant 0 : i32
        %dma_start3A_60 = arith.constant 0 : i32
        %dma_start3A_61 = tpu.memref_slice %arg11[%dma_start3A_59, %dma_start3A_60] : memref<10112x128xf32, #tpu.memory_space<vmem_shared>> -> memref<10112x128xf32, #tpu.memory_space<vmem_shared>>
        tpu.enqueue_indirect_dma source(%arg10 : memref<128x128xf32, #tpu.memory_space<vmem>>) target(%dma_start3A_61 : memref<10112x128xf32, #tpu.memory_space<vmem_shared>>) offsets(%dma_start3A_58 : memref<128xi32, #tpu.memory_space<vmem>>) semaphore(%run_scoped3A_55 : memref<!tpu.dma_semaphore, #tpu.memory_space<semaphore_mem>>) {add = true}
        %dma_wait3A_62 = arith.constant 0 : i32
        %dma_wait3A_63 = tpu.memref_slice %arg8[%run_scoped3A_54, %dma_wait3A_62] : memref<40x128xi32, #tpu.memory_space<vmem>> -> memref<1x128xi32, #tpu.memory_space<vmem>>
        %dma_wait3A_64 = tpu.memref_squeeze %dma_wait3A_63 : memref<1x128xi32, #tpu.memory_space<vmem>> -> memref<128xi32, #tpu.memory_space<vmem>>
        %dma_wait3A_65 = arith.constant 0 : i32
        %dma_wait3A_66 = arith.constant 0 : i32
        %dma_wait3A_67 = tpu.memref_slice %arg11[%dma_wait3A_65, %dma_wait3A_66] : memref<10112x128xf32, #tpu.memory_space<vmem_shared>> -> memref<10112x128xf32, #tpu.memory_space<vmem_shared>>
        tpu.wait_indirect_dma semaphore(%run_scoped3A_55 : memref<!tpu.dma_semaphore, #tpu.memory_space<semaphore_mem>>) src(%arg10 : memref<128x128xf32, #tpu.memory_space<vmem>>) dst(%dma_wait3A_67 : memref<10112x128xf32, #tpu.memory_space<vmem_shared>>)
        tpu.yield
      }) : () -> ()
    }
    %scan3A_8 = arith.constant 2 : i32
    %barrier3A_9 = arith.constant 0 : index
    tpu.barrier barrier_id(%barrier3A_9)
    %mul3A_10 = arith.constant 632 : i32
    %mul3A_11 = arith.muli %arg1, %mul3A_10 : i32
    %mul3A_12 = arith.constant 632 : i32
    %mul3A_13 = arith.muli %arg1, %mul3A_12 : i32
    "tpu.region"() ({
      %run_scoped3A = tpu.sem_alloc : memref<!tpu.dma_semaphore, #tpu.memory_space<semaphore_mem>>
      %dma_start3A = arith.constant 0 : i32
      %dma_start3A_14 = tpu.memref_slice %arg6[%arg0, %mul3A_13, %dma_start3A] : memref<2x10112x128xf32, #tpu.memory_space<hbm>> -> memref<1x632x128xf32, #tpu.memory_space<hbm>>
      %dma_start3A_15 = tpu.memref_squeeze %dma_start3A_14 : memref<1x632x128xf32, #tpu.memory_space<hbm>> -> memref<632x128xf32, #tpu.memory_space<hbm>>
      %dma_start3A_16 = arith.constant 0 : i32
      %dma_start3A_17 = tpu.memref_slice %arg11[%mul3A_11, %dma_start3A_16] : memref<10112x128xf32, #tpu.memory_space<vmem_shared>> -> memref<632x128xf32, #tpu.memory_space<vmem_shared>>
      tpu.enqueue_dma source(%dma_start3A_17 : memref<632x128xf32, #tpu.memory_space<vmem_shared>>) target(%dma_start3A_15 : memref<632x128xf32, #tpu.memory_space<hbm>>) target_semaphore(%run_scoped3A : memref<!tpu.dma_semaphore, #tpu.memory_space<semaphore_mem>>)
      %dma_wait3A = arith.constant 0 : i32
      %dma_wait3A_18 = tpu.memref_slice %arg6[%arg0, %mul3A_13, %dma_wait3A] : memref<2x10112x128xf32, #tpu.memory_space<hbm>> -> memref<1x632x128xf32, #tpu.memory_space<hbm>>
      %dma_wait3A_19 = tpu.memref_squeeze %dma_wait3A_18 : memref<1x632x128xf32, #tpu.memory_space<hbm>> -> memref<632x128xf32, #tpu.memory_space<hbm>>
      %dma_wait3A_20 = arith.constant 0 : i32
      %dma_wait3A_21 = tpu.memref_slice %arg11[%mul3A_11, %dma_wait3A_20] : memref<10112x128xf32, #tpu.memory_space<vmem_shared>> -> memref<632x128xf32, #tpu.memory_space<vmem_shared>>
      tpu.wait_dma2 semaphore(%run_scoped3A : memref<!tpu.dma_semaphore, #tpu.memory_space<semaphore_mem>>) src(%dma_wait3A_21 : memref<632x128xf32, #tpu.memory_space<vmem_shared>>) dst(%dma_wait3A_19 : memref<632x128xf32, #tpu.memory_space<hbm>>)
      tpu.yield
    }) : () -> ()
    return
  }
}

#map = affine_map<(d0, d1) -> (0, 0, 0)>
#map1 = affine_map<(d0, d1) -> (0, 0)>
module attributes {stable_mosaic.version = 14 : i64} {
  func.func @_deg_body(%arg0: i32, %arg1: i32, %arg2: memref<32x40x128xi32, #tpu.memory_space<hbm>>, %arg3: memref<128x128xf32, #tpu.memory_space<hbm>>, %arg4: memref<10112x128xf32, #tpu.memory_space<hbm>>, %arg5: memref<2x10112x128xf32, #tpu.memory_space<hbm>>, %arg6: memref<40x128xi32, #tpu.memory_space<vmem>>, %arg7: memref<128x128xf32, #tpu.memory_space<vmem>>, %arg8: memref<10112x128xf32, #tpu.memory_space<vmem_shared>>, %arg9: memref<!tpu.dma_semaphore, #tpu.memory_space<semaphore_mem>>) attributes {dimension_semantics = [#tpu.dimension_semantics<core_parallel>, #tpu.dimension_semantics<subcore_parallel>], iteration_bounds = array<i64: 2, 16>, scalar_prefetch = 0 : i64, scratch_operands = 4 : i64, tpu.core_type = #tpu.core_type<sc_vector_subcore>, window_params = [{transform_indices = #map}, {transform_indices = #map1}, {transform_indices = #map1}, {transform_indices = #map}]} {
    %mul3A = arith.constant 16 : i32
    %mul3A_0 = arith.muli %arg0, %mul3A : i32
    %add3A = arith.addi %mul3A_0, %arg1 : i32
    "tpu.region"() ({
      %run_scoped3A = tpu.sem_alloc : memref<!tpu.dma_semaphore, #tpu.memory_space<semaphore_mem>>
      %dma_start3A = arith.constant 0 : i32
      %dma_start3A_14 = arith.constant 0 : i32
      %dma_start3A_15 = tpu.memref_slice %arg2[%add3A, %dma_start3A, %dma_start3A_14] : memref<32x40x128xi32, #tpu.memory_space<hbm>> -> memref<1x40x128xi32, #tpu.memory_space<hbm>>
      %dma_start3A_16 = tpu.memref_squeeze %dma_start3A_15 : memref<1x40x128xi32, #tpu.memory_space<hbm>> -> memref<40x128xi32, #tpu.memory_space<hbm>>
      %dma_start3A_17 = arith.constant 0 : i32
      %dma_start3A_18 = arith.constant 0 : i32
      %dma_start3A_19 = tpu.memref_slice %arg2[%add3A, %dma_start3A_17, %dma_start3A_18] : memref<32x40x128xi32, #tpu.memory_space<hbm>> -> memref<1x40x128xi32, #tpu.memory_space<hbm>>
      %dma_start3A_20 = tpu.memref_squeeze %dma_start3A_19 : memref<1x40x128xi32, #tpu.memory_space<hbm>> -> memref<40x128xi32, #tpu.memory_space<hbm>>
      tpu.enqueue_dma source(%dma_start3A_20 : memref<40x128xi32, #tpu.memory_space<hbm>>) target(%arg6 : memref<40x128xi32, #tpu.memory_space<vmem>>) target_semaphore(%run_scoped3A : memref<!tpu.dma_semaphore, #tpu.memory_space<semaphore_mem>>)
      %dma_wait3A = arith.constant 0 : i32
      %dma_wait3A_21 = arith.constant 0 : i32
      %dma_wait3A_22 = tpu.memref_slice %arg2[%add3A, %dma_wait3A, %dma_wait3A_21] : memref<32x40x128xi32, #tpu.memory_space<hbm>> -> memref<1x40x128xi32, #tpu.memory_space<hbm>>
      %dma_wait3A_23 = tpu.memref_squeeze %dma_wait3A_22 : memref<1x40x128xi32, #tpu.memory_space<hbm>> -> memref<40x128xi32, #tpu.memory_space<hbm>>
      %dma_wait3A_24 = arith.constant 0 : i32
      %dma_wait3A_25 = arith.constant 0 : i32
      %dma_wait3A_26 = tpu.memref_slice %arg2[%add3A, %dma_wait3A_24, %dma_wait3A_25] : memref<32x40x128xi32, #tpu.memory_space<hbm>> -> memref<1x40x128xi32, #tpu.memory_space<hbm>>
      %dma_wait3A_27 = tpu.memref_squeeze %dma_wait3A_26 : memref<1x40x128xi32, #tpu.memory_space<hbm>> -> memref<40x128xi32, #tpu.memory_space<hbm>>
      tpu.wait_dma2 semaphore(%run_scoped3A : memref<!tpu.dma_semaphore, #tpu.memory_space<semaphore_mem>>) src(%dma_wait3A_27 : memref<40x128xi32, #tpu.memory_space<hbm>>) dst(%arg6 : memref<40x128xi32, #tpu.memory_space<vmem>>)
      tpu.yield
    }) : () -> ()
    "tpu.region"() ({
      %run_scoped3A = tpu.sem_alloc : memref<!tpu.dma_semaphore, #tpu.memory_space<semaphore_mem>>
      tpu.enqueue_dma source(%arg3 : memref<128x128xf32, #tpu.memory_space<hbm>>) target(%arg7 : memref<128x128xf32, #tpu.memory_space<vmem>>) target_semaphore(%run_scoped3A : memref<!tpu.dma_semaphore, #tpu.memory_space<semaphore_mem>>)
      tpu.wait_dma2 semaphore(%run_scoped3A : memref<!tpu.dma_semaphore, #tpu.memory_space<semaphore_mem>>) src(%arg3 : memref<128x128xf32, #tpu.memory_space<hbm>>) dst(%arg7 : memref<128x128xf32, #tpu.memory_space<vmem>>)
      tpu.yield
    }) : () -> ()
    %mul3A_1 = arith.constant 632 : i32
    %mul3A_2 = arith.muli %arg1, %mul3A_1 : i32
    %mul3A_3 = arith.constant 632 : i32
    %mul3A_4 = arith.muli %arg1, %mul3A_3 : i32
    "tpu.region"() ({
      %run_scoped3A = tpu.sem_alloc : memref<!tpu.dma_semaphore, #tpu.memory_space<semaphore_mem>>
      %dma_start3A = arith.constant 0 : i32
      %dma_start3A_14 = tpu.memref_slice %arg8[%mul3A_4, %dma_start3A] : memref<10112x128xf32, #tpu.memory_space<vmem_shared>> -> memref<632x128xf32, #tpu.memory_space<vmem_shared>>
      %dma_start3A_15 = arith.constant 0 : i32
      %dma_start3A_16 = tpu.memref_slice %arg4[%mul3A_2, %dma_start3A_15] : memref<10112x128xf32, #tpu.memory_space<hbm>> -> memref<632x128xf32, #tpu.memory_space<hbm>>
      tpu.enqueue_dma source(%dma_start3A_16 : memref<632x128xf32, #tpu.memory_space<hbm>>) target(%dma_start3A_14 : memref<632x128xf32, #tpu.memory_space<vmem_shared>>) target_semaphore(%run_scoped3A : memref<!tpu.dma_semaphore, #tpu.memory_space<semaphore_mem>>)
      %dma_wait3A = arith.constant 0 : i32
      %dma_wait3A_17 = tpu.memref_slice %arg8[%mul3A_4, %dma_wait3A] : memref<10112x128xf32, #tpu.memory_space<vmem_shared>> -> memref<632x128xf32, #tpu.memory_space<vmem_shared>>
      %dma_wait3A_18 = arith.constant 0 : i32
      %dma_wait3A_19 = tpu.memref_slice %arg4[%mul3A_2, %dma_wait3A_18] : memref<10112x128xf32, #tpu.memory_space<hbm>> -> memref<632x128xf32, #tpu.memory_space<hbm>>
      tpu.wait_dma2 semaphore(%run_scoped3A : memref<!tpu.dma_semaphore, #tpu.memory_space<semaphore_mem>>) src(%dma_wait3A_19 : memref<632x128xf32, #tpu.memory_space<hbm>>) dst(%dma_wait3A_17 : memref<632x128xf32, #tpu.memory_space<vmem_shared>>)
      tpu.yield
    }) : () -> ()
    %barrier3A = arith.constant 0 : index
    tpu.barrier barrier_id(%barrier3A)
    %scan3A = arith.constant 0 : i32
    %scan3A_5 = arith.constant 40 : i32
    %scan3A_6 = arith.addi %scan3A, %scan3A_5 : i32
    %scan3A_7 = arith.constant 1 : i32
    scf.for %scan3A_14 = %scan3A to %scan3A_6 step %scan3A_7  : i32 {
      %mul3A_15 = arith.constant 1 : i32
      %mul3A_16 = arith.muli %scan3A_14, %mul3A_15 : i32
      %add3A_17 = arith.constant 0 : i32
      %add3A_18 = arith.addi %add3A_17, %mul3A_16 : i32
      "tpu.region"() ({
        %run_scoped3A = tpu.sem_alloc : memref<!tpu.dma_semaphore, #tpu.memory_space<semaphore_mem>>
        %dma_start3A = arith.constant 0 : i32
        %dma_start3A_19 = tpu.memref_slice %arg6[%add3A_18, %dma_start3A] : memref<40x128xi32, #tpu.memory_space<vmem>> -> memref<1x128xi32, #tpu.memory_space<vmem>>
        %dma_start3A_20 = tpu.memref_squeeze %dma_start3A_19 : memref<1x128xi32, #tpu.memory_space<vmem>> -> memref<128xi32, #tpu.memory_space<vmem>>
        %dma_start3A_21 = arith.constant 0 : i32
        %dma_start3A_22 = arith.constant 0 : i32
        %dma_start3A_23 = tpu.memref_slice %arg8[%dma_start3A_21, %dma_start3A_22] : memref<10112x128xf32, #tpu.memory_space<vmem_shared>> -> memref<10112x128xf32, #tpu.memory_space<vmem_shared>>
        tpu.enqueue_indirect_dma source(%arg7 : memref<128x128xf32, #tpu.memory_space<vmem>>) target(%dma_start3A_23 : memref<10112x128xf32, #tpu.memory_space<vmem_shared>>) offsets(%dma_start3A_20 : memref<128xi32, #tpu.memory_space<vmem>>) semaphore(%run_scoped3A : memref<!tpu.dma_semaphore, #tpu.memory_space<semaphore_mem>>) {add = true}
        %dma_wait3A = arith.constant 0 : i32
        %dma_wait3A_24 = tpu.memref_slice %arg6[%add3A_18, %dma_wait3A] : memref<40x128xi32, #tpu.memory_space<vmem>> -> memref<1x128xi32, #tpu.memory_space<vmem>>
        %dma_wait3A_25 = tpu.memref_squeeze %dma_wait3A_24 : memref<1x128xi32, #tpu.memory_space<vmem>> -> memref<128xi32, #tpu.memory_space<vmem>>
        %dma_wait3A_26 = arith.constant 0 : i32
        %dma_wait3A_27 = arith.constant 0 : i32
        %dma_wait3A_28 = tpu.memref_slice %arg8[%dma_wait3A_26, %dma_wait3A_27] : memref<10112x128xf32, #tpu.memory_space<vmem_shared>> -> memref<10112x128xf32, #tpu.memory_space<vmem_shared>>
        tpu.wait_indirect_dma semaphore(%run_scoped3A : memref<!tpu.dma_semaphore, #tpu.memory_space<semaphore_mem>>) src(%arg7 : memref<128x128xf32, #tpu.memory_space<vmem>>) dst(%dma_wait3A_28 : memref<10112x128xf32, #tpu.memory_space<vmem_shared>>)
        tpu.yield
      }) : () -> ()
    }
    %scan3A_8 = arith.constant 40 : i32
    %barrier3A_9 = arith.constant 0 : index
    tpu.barrier barrier_id(%barrier3A_9)
    %mul3A_10 = arith.constant 632 : i32
    %mul3A_11 = arith.muli %arg1, %mul3A_10 : i32
    %mul3A_12 = arith.constant 632 : i32
    %mul3A_13 = arith.muli %arg1, %mul3A_12 : i32
    "tpu.region"() ({
      %run_scoped3A = tpu.sem_alloc : memref<!tpu.dma_semaphore, #tpu.memory_space<semaphore_mem>>
      %dma_start3A = arith.constant 0 : i32
      %dma_start3A_14 = tpu.memref_slice %arg5[%arg0, %mul3A_13, %dma_start3A] : memref<2x10112x128xf32, #tpu.memory_space<hbm>> -> memref<1x632x128xf32, #tpu.memory_space<hbm>>
      %dma_start3A_15 = tpu.memref_squeeze %dma_start3A_14 : memref<1x632x128xf32, #tpu.memory_space<hbm>> -> memref<632x128xf32, #tpu.memory_space<hbm>>
      %dma_start3A_16 = arith.constant 0 : i32
      %dma_start3A_17 = tpu.memref_slice %arg8[%mul3A_11, %dma_start3A_16] : memref<10112x128xf32, #tpu.memory_space<vmem_shared>> -> memref<632x128xf32, #tpu.memory_space<vmem_shared>>
      tpu.enqueue_dma source(%dma_start3A_17 : memref<632x128xf32, #tpu.memory_space<vmem_shared>>) target(%dma_start3A_15 : memref<632x128xf32, #tpu.memory_space<hbm>>) target_semaphore(%run_scoped3A : memref<!tpu.dma_semaphore, #tpu.memory_space<semaphore_mem>>)
      %dma_wait3A = arith.constant 0 : i32
      %dma_wait3A_18 = tpu.memref_slice %arg5[%arg0, %mul3A_13, %dma_wait3A] : memref<2x10112x128xf32, #tpu.memory_space<hbm>> -> memref<1x632x128xf32, #tpu.memory_space<hbm>>
      %dma_wait3A_19 = tpu.memref_squeeze %dma_wait3A_18 : memref<1x632x128xf32, #tpu.memory_space<hbm>> -> memref<632x128xf32, #tpu.memory_space<hbm>>
      %dma_wait3A_20 = arith.constant 0 : i32
      %dma_wait3A_21 = tpu.memref_slice %arg8[%mul3A_11, %dma_wait3A_20] : memref<10112x128xf32, #tpu.memory_space<vmem_shared>> -> memref<632x128xf32, #tpu.memory_space<vmem_shared>>
      tpu.wait_dma2 semaphore(%run_scoped3A : memref<!tpu.dma_semaphore, #tpu.memory_space<semaphore_mem>>) src(%dma_wait3A_21 : memref<632x128xf32, #tpu.memory_space<vmem_shared>>) dst(%dma_wait3A_19 : memref<632x128xf32, #tpu.memory_space<hbm>>)
      tpu.yield
    }) : () -> ()
    return
  }
}

module attributes {stable_mosaic.version = 14 : i64} {
  func.func @_mm1_body(%arg0: i32, %arg1: i32, %arg2: memref<1000x256xf32, #tpu.memory_space<vmem>>, %arg3: memref<256x128xf32, #tpu.memory_space<vmem>>, %arg4: memref<1000x128xf32, #tpu.memory_space<vmem>>) attributes {dimension_semantics = [#tpu.dimension_semantics<arbitrary>, #tpu.dimension_semantics<arbitrary>], iteration_bounds = array<i64: 2, 10>, scalar_prefetch = 0 : i64, scratch_operands = 0 : i64, tpu.core_type = #tpu.core_type<tc>, window_params = [{transform_indices = @transform_0, window_bounds = array<i64: 1000, 256>}, {transform_indices = @transform_1, window_bounds = array<i64: 256, 128>}, {transform_indices = @transform_2, window_bounds = array<i64: 1000, 128>}]} {
    %get3A = arith.constant 0 : index
    %get3A_0 = arith.constant 0 : index
    %get3A_1 = vector.load %arg2[%get3A, %get3A_0] : memref<1000x256xf32, #tpu.memory_space<vmem>>, vector<1000x256xf32>
    %get3A_2 = arith.constant 0 : index
    %get3A_3 = arith.constant 0 : index
    %get3A_4 = vector.load %arg3[%get3A_2, %get3A_3] : memref<256x128xf32, #tpu.memory_space<vmem>>, vector<256x128xf32>
    %dot_general3A = arith.constant dense<0.000000e+00> : vector<1000x128xf32>
    %dot_general3A_5 = tpu.matmul %get3A_1, %get3A_4, %dot_general3A {dimension_numbers = #tpu.dot_dimension_numbers<[1], [0], [0], [1], [0, 0, 1, 1], [], []>, transpose_lhs_hint = false} : vector<1000x256xf32>, vector<256x128xf32>, vector<1000x128xf32> -> vector<1000x128xf32>
    %swap3A = arith.constant 0 : index
    %swap3A_6 = arith.constant 0 : index
    %swap3A_7 = vector.load %arg4[%swap3A, %swap3A_6] : memref<1000x128xf32, #tpu.memory_space<vmem>>, vector<1000x128xf32>
    tpu.vector_store %arg4[%swap3A, %swap3A_6], %dot_general3A_5 {strides = array<i32>} : memref<1000x128xf32, #tpu.memory_space<vmem>>, vector<1000x128xf32>,
    return
  }
  func.func @transform_0(%arg0: i32, %arg1: i32) -> (i32, i32) {
    %c0_i32 = arith.constant 0 : i32
    %c0_i32_0 = arith.constant 0 : i32
    return %arg1, %c0_i32 : i32, i32
  }
  func.func @transform_1(%arg0: i32, %arg1: i32) -> (i32, i32) {
    %c0_i32 = arith.constant 0 : i32
    %c0_i32_0 = arith.constant 0 : i32
    return %c0_i32, %arg0 : i32, i32
  }
  func.func @transform_2(%arg0: i32, %arg1: i32) -> (i32, i32) {
    %mul3A = arith.constant 10 : i32
    %mul3A_0 = arith.muli %arg0, %mul3A : i32
    %add3A = arith.addi %mul3A_0, %arg1 : i32
    %c0_i32 = arith.constant 0 : i32
    %c0_i32_1 = arith.constant 0 : i32
    return %add3A, %c0_i32 : i32, i32
  }
}

module attributes {stable_mosaic.version = 14 : i64} {
  func.func @_scale_body(%arg0: i32, %arg1: i32, %arg2: memref<2x1000x128xf32, #tpu.memory_space<vmem>>, %arg3: memref<1000x128xf32, #tpu.memory_space<vmem>>, %arg4: memref<1000x128xf32, #tpu.memory_space<vmem>>) attributes {dimension_semantics = [#tpu.dimension_semantics<arbitrary>, #tpu.dimension_semantics<arbitrary>], iteration_bounds = array<i64: 2, 10>, scalar_prefetch = 0 : i64, scratch_operands = 0 : i64, tpu.core_type = #tpu.core_type<tc>, window_params = [{transform_indices = @transform_0, window_bounds = array<i64: 2, 1000, 128>}, {transform_indices = @transform_1, window_bounds = array<i64: 1000, 128>}, {transform_indices = @transform_2, window_bounds = array<i64: 1000, 128>}]} {
    %get3A = arith.constant 0 : index
    %get3A_0 = arith.constant 0 : index
    %get3A_1 = arith.constant 0 : index
    %get3A_2 = vector.load %arg2[%get3A, %get3A_0, %get3A_1] : memref<2x1000x128xf32, #tpu.memory_space<vmem>>, vector<1x1000x1xf32>
    %get3A_3 = vector.shape_cast %get3A_2 : vector<1x1000x1xf32> to vector<1000x1xf32>
    %get3A_4 = arith.constant 1 : index
    %get3A_5 = arith.constant 0 : index
    %get3A_6 = arith.constant 0 : index
    %get3A_7 = vector.load %arg2[%get3A_4, %get3A_5, %get3A_6] : memref<2x1000x128xf32, #tpu.memory_space<vmem>>, vector<1x1000x1xf32>
    %get3A_8 = vector.shape_cast %get3A_7 : vector<1x1000x1xf32> to vector<1000x1xf32>
    %add3A = arith.addf %get3A_3, %get3A_8 : vector<1000x1xf32>
    %add3A_9 = arith.constant 1.000000e+00 : f32
    %add3A_10 = vector.broadcast %add3A_9 : f32 to vector<1000x1xf32>
    %add3A_11 = arith.addf %add3A, %add3A_10 : vector<1000x1xf32>
    %rsqrt3A = math.rsqrt %add3A_11 : vector<1000x1xf32>
    %get3A_12 = arith.constant 0 : index
    %get3A_13 = arith.constant 0 : index
    %get3A_14 = vector.load %arg3[%get3A_12, %get3A_13] : memref<1000x128xf32, #tpu.memory_space<vmem>>, vector<1000x128xf32>
    %mul3A = vector.broadcast %rsqrt3A : vector<1000x1xf32> to vector<1000x128xf32>
    %mul3A_15 = arith.mulf %mul3A, %get3A_14 : vector<1000x128xf32>
    %swap3A = arith.constant 0 : index
    %swap3A_16 = arith.constant 0 : index
    %swap3A_17 = vector.load %arg4[%swap3A, %swap3A_16] : memref<1000x128xf32, #tpu.memory_space<vmem>>, vector<1000x128xf32>
    tpu.vector_store %arg4[%swap3A, %swap3A_16], %mul3A_15 {strides = array<i32>} : memref<1000x128xf32, #tpu.memory_space<vmem>>, vector<1000x128xf32>,
    return
  }
  func.func @transform_0(%arg0: i32, %arg1: i32) -> (i32, i32, i32) {
    %c0_i32 = arith.constant 0 : i32
    %c0_i32_0 = arith.constant 0 : i32
    %c0_i32_1 = arith.constant 0 : i32
    return %c0_i32, %arg1, %c0_i32_0 : i32, i32, i32
  }
  func.func @transform_1(%arg0: i32, %arg1: i32) -> (i32, i32) {
    %mul3A = arith.constant 10 : i32
    %mul3A_0 = arith.muli %arg0, %mul3A : i32
    %add3A = arith.addi %mul3A_0, %arg1 : i32
    %c0_i32 = arith.constant 0 : i32
    %c0_i32_1 = arith.constant 0 : i32
    return %add3A, %c0_i32 : i32, i32
  }
  func.func @transform_2(%arg0: i32, %arg1: i32) -> (i32, i32) {
    %mul3A = arith.constant 10 : i32
    %mul3A_0 = arith.muli %arg0, %mul3A : i32
    %add3A = arith.addi %mul3A_0, %arg1 : i32
    %c0_i32 = arith.constant 0 : i32
    %c0_i32_1 = arith.constant 0 : i32
    return %add3A, %c0_i32 : i32, i32
  }
}

module attributes {stable_mosaic.version = 14 : i64} {
  func.func @_comb_body(%arg0: i32, %arg1: i32, %arg2: memref<2x1000x128xf32, #tpu.memory_space<vmem>>, %arg3: memref<2x1000x128xf32, #tpu.memory_space<vmem>>, %arg4: memref<2x1000x128xf32, #tpu.memory_space<vmem>>, %arg5: memref<1x256xf32, #tpu.memory_space<vmem>>, %arg6: memref<256x128xf32, #tpu.memory_space<vmem>>, %arg7: memref<1000x128xf32, #tpu.memory_space<vmem>>) attributes {dimension_semantics = [#tpu.dimension_semantics<arbitrary>, #tpu.dimension_semantics<arbitrary>], iteration_bounds = array<i64: 2, 10>, scalar_prefetch = 0 : i64, scratch_operands = 0 : i64, tpu.core_type = #tpu.core_type<tc>, window_params = [{transform_indices = @transform_0, window_bounds = array<i64: 2, 1000, 128>}, {transform_indices = @transform_1, window_bounds = array<i64: 2, 1000, 128>}, {transform_indices = @transform_2, window_bounds = array<i64: 2, 1000, 128>}, {pipeline_mode = #tpu.pipeline_mode<synchronous>, transform_indices = @transform_3, window_bounds = array<i64: 1, 256>}, {transform_indices = @transform_4, window_bounds = array<i64: 256, 128>}, {transform_indices = @transform_5, window_bounds = array<i64: 1000, 128>}]} {
    %get3A = arith.constant 0 : index
    %get3A_0 = arith.constant 0 : index
    %get3A_1 = arith.constant 0 : index
    %get3A_2 = vector.load %arg2[%get3A, %get3A_0, %get3A_1] : memref<2x1000x128xf32, #tpu.memory_space<vmem>>, vector<1x1000x1xf32>
    %get3A_3 = vector.shape_cast %get3A_2 : vector<1x1000x1xf32> to vector<1000x1xf32>
    %get3A_4 = arith.constant 1 : index
    %get3A_5 = arith.constant 0 : index
    %get3A_6 = arith.constant 0 : index
    %get3A_7 = vector.load %arg2[%get3A_4, %get3A_5, %get3A_6] : memref<2x1000x128xf32, #tpu.memory_space<vmem>>, vector<1x1000x1xf32>
    %get3A_8 = vector.shape_cast %get3A_7 : vector<1x1000x1xf32> to vector<1000x1xf32>
    %add3A = arith.addf %get3A_3, %get3A_8 : vector<1000x1xf32>
    %add3A_9 = arith.constant 1.000000e+00 : f32
    %add3A_10 = vector.broadcast %add3A_9 : f32 to vector<1000x1xf32>
    %add3A_11 = arith.addf %add3A, %add3A_10 : vector<1000x1xf32>
    %rsqrt3A = math.rsqrt %add3A_11 : vector<1000x1xf32>
    %get3A_12 = arith.constant 0 : index
    %get3A_13 = arith.constant 0 : index
    %get3A_14 = arith.constant 0 : index
    %get3A_15 = vector.load %arg3[%get3A_12, %get3A_13, %get3A_14] : memref<2x1000x128xf32, #tpu.memory_space<vmem>>, vector<1x1000x128xf32>
    %get3A_16 = vector.shape_cast %get3A_15 : vector<1x1000x128xf32> to vector<1000x128xf32>
    %get3A_17 = arith.constant 0 : index
    %get3A_18 = arith.constant 0 : index
    %get3A_19 = arith.constant 0 : index
    %get3A_20 = vector.load %arg4[%get3A_17, %get3A_18, %get3A_19] : memref<2x1000x128xf32, #tpu.memory_space<vmem>>, vector<1x1000x128xf32>
    %get3A_21 = vector.shape_cast %get3A_20 : vector<1x1000x128xf32> to vector<1000x128xf32>
    %add3A_22 = arith.addf %get3A_16, %get3A_21 : vector<1000x128xf32>
    %mul3A = vector.broadcast %rsqrt3A : vector<1000x1xf32> to vector<1000x128xf32>
    %mul3A_23 = arith.mulf %mul3A, %add3A_22 : vector<1000x128xf32>
    %get3A_24 = arith.constant 0 : index
    %get3A_25 = arith.constant 0 : index
    %get3A_26 = vector.load %arg5[%get3A_24, %get3A_25] : memref<1x256xf32, #tpu.memory_space<vmem>>, vector<1x128xf32>
    %add3A_27 = vector.broadcast %get3A_26 : vector<1x128xf32> to vector<1000x128xf32>
    %add3A_28 = arith.addf %mul3A_23, %add3A_27 : vector<1000x128xf32>
    %max3A = arith.constant 0.000000e+00 : f32
    %max3A_29 = vector.broadcast %max3A : f32 to vector<1000x128xf32>
    %max3A_30 = arith.maximumf %add3A_28, %max3A_29 : vector<1000x128xf32>
    %get3A_31 = arith.constant 1 : index
    %get3A_32 = arith.constant 0 : index
    %get3A_33 = arith.constant 0 : index
    %get3A_34 = vector.load %arg3[%get3A_31, %get3A_32, %get3A_33] : memref<2x1000x128xf32, #tpu.memory_space<vmem>>, vector<1x1000x128xf32>
    %get3A_35 = vector.shape_cast %get3A_34 : vector<1x1000x128xf32> to vector<1000x128xf32>
    %get3A_36 = arith.constant 1 : index
    %get3A_37 = arith.constant 0 : index
    %get3A_38 = arith.constant 0 : index
    %get3A_39 = vector.load %arg4[%get3A_36, %get3A_37, %get3A_38] : memref<2x1000x128xf32, #tpu.memory_space<vmem>>, vector<1x1000x128xf32>
    %get3A_40 = vector.shape_cast %get3A_39 : vector<1x1000x128xf32> to vector<1000x128xf32>
    %add3A_41 = arith.addf %get3A_35, %get3A_40 : vector<1000x128xf32>
    %mul3A_42 = vector.broadcast %rsqrt3A : vector<1000x1xf32> to vector<1000x128xf32>
    %mul3A_43 = arith.mulf %mul3A_42, %add3A_41 : vector<1000x128xf32>
    %get3A_44 = arith.constant 0 : index
    %get3A_45 = arith.constant 128 : index
    %get3A_46 = vector.load %arg5[%get3A_44, %get3A_45] : memref<1x256xf32, #tpu.memory_space<vmem>>, vector<1x128xf32>
    %add3A_47 = vector.broadcast %get3A_46 : vector<1x128xf32> to vector<1000x128xf32>
    %add3A_48 = arith.addf %mul3A_43, %add3A_47 : vector<1000x128xf32>
    %max3A_49 = arith.constant 0.000000e+00 : f32
    %max3A_50 = vector.broadcast %max3A_49 : f32 to vector<1000x128xf32>
    %max3A_51 = arith.maximumf %add3A_48, %max3A_50 : vector<1000x128xf32>
    %concatenate3A = tpu.concatenate %max3A_30, %max3A_51 in 1 : vector<1000x128xf32>, vector<1000x128xf32> -> vector<1000x256xf32>
    %get3A_52 = arith.constant 0 : index
    %get3A_53 = arith.constant 0 : index
    %get3A_54 = vector.load %arg6[%get3A_52, %get3A_53] : memref<256x128xf32, #tpu.memory_space<vmem>>, vector<256x128xf32>
    %dot_general3A = arith.constant dense<0.000000e+00> : vector<1000x128xf32>
    %dot_general3A_55 = tpu.matmul %concatenate3A, %get3A_54, %dot_general3A {dimension_numbers = #tpu.dot_dimension_numbers<[1], [0], [0], [1], [0, 0, 1, 1], [], []>, transpose_lhs_hint = false} : vector<1000x256xf32>, vector<256x128xf32>, vector<1000x128xf32> -> vector<1000x128xf32>
    %mul3A_56 = vector.broadcast %rsqrt3A : vector<1000x1xf32> to vector<1000x128xf32>
    %mul3A_57 = arith.mulf %mul3A_56, %dot_general3A_55 : vector<1000x128xf32>
    %swap3A = arith.constant 0 : index
    %swap3A_58 = arith.constant 0 : index
    %swap3A_59 = vector.load %arg7[%swap3A, %swap3A_58] : memref<1000x128xf32, #tpu.memory_space<vmem>>, vector<1000x128xf32>
    tpu.vector_store %arg7[%swap3A, %swap3A_58], %mul3A_57 {strides = array<i32>} : memref<1000x128xf32, #tpu.memory_space<vmem>>, vector<1000x128xf32>,
    return
  }
  func.func @transform_0(%arg0: i32, %arg1: i32) -> (i32, i32, i32) {
    %c0_i32 = arith.constant 0 : i32
    %c0_i32_0 = arith.constant 0 : i32
    %c0_i32_1 = arith.constant 0 : i32
    return %c0_i32, %arg1, %c0_i32_0 : i32, i32, i32
  }
  func.func @transform_1(%arg0: i32, %arg1: i32) -> (i32, i32, i32) {
    %c0_i32 = arith.constant 0 : i32
    %c0_i32_0 = arith.constant 0 : i32
    %c0_i32_1 = arith.constant 0 : i32
    return %c0_i32, %arg1, %c0_i32_0 : i32, i32, i32
  }
  func.func @transform_2(%arg0: i32, %arg1: i32) -> (i32, i32, i32) {
    %c0_i32 = arith.constant 0 : i32
    %c0_i32_0 = arith.constant 0 : i32
    %c0_i32_1 = arith.constant 0 : i32
    return %c0_i32, %arg1, %c0_i32_0 : i32, i32, i32
  }
  func.func @transform_3(%arg0: i32, %arg1: i32) -> (i32, i32) {
    %c0_i32 = arith.constant 0 : i32
    %c0_i32_0 = arith.constant 0 : i32
    %c0_i32_1 = arith.constant 0 : i32
    return %c0_i32, %c0_i32_0 : i32, i32
  }
  func.func @transform_4(%arg0: i32, %arg1: i32) -> (i32, i32) {
    %c0_i32 = arith.constant 0 : i32
    %c0_i32_0 = arith.constant 0 : i32
    return %c0_i32, %arg0 : i32, i32
  }
  func.func @transform_5(%arg0: i32, %arg1: i32) -> (i32, i32) {
    %mul3A = arith.constant 10 : i32
    %mul3A_0 = arith.muli %arg0, %mul3A : i32
    %add3A = arith.addi %mul3A_0, %arg1 : i32
    %c0_i32 = arith.constant 0 : i32
    %c0_i32_1 = arith.constant 0 : i32
    return %add3A, %c0_i32 : i32, i32
  }
}

module attributes {stable_mosaic.version = 14 : i64} {
  func.func @_fin_body(%arg0: i32, %arg1: memref<1xi32, #tpu.memory_space<smem>>, %arg2: memref<1xi32, #tpu.memory_space<smem>>, %arg3: memref<2x1000x128xf32, #tpu.memory_space<vmem>>, %arg4: memref<2x1000x128xf32, #tpu.memory_space<vmem>>, %arg5: memref<2x1000x128xf32, #tpu.memory_space<vmem>>, %arg6: memref<1x256xf32, #tpu.memory_space<vmem>>, %arg7: memref<10x1000xf32, #tpu.memory_space<vmem>>, %arg8: memref<20x64xf32, #tpu.memory_space<vmem>>, %arg9: memref<320x256xf32, #tpu.memory_space<vmem>>, %arg10: memref<1x256xf32, #tpu.memory_space<vmem>>, %arg11: memref<256x1xf32, #tpu.memory_space<vmem>>, %arg12: memref<1x1xf32, #tpu.memory_space<vmem>>, %arg13: memref<1x1xf32, #tpu.memory_space<vmem>>, %arg14: memref<1x256xf32, #tpu.memory_space<vmem>>) attributes {dimension_semantics = [#tpu.dimension_semantics<arbitrary>], iteration_bounds = array<i64: 10>, scalar_prefetch = 0 : i64, scratch_operands = 1 : i64, tpu.core_type = #tpu.core_type<tc>, window_params = [{transform_indices = @transform_0, window_bounds = array<i64: 1>}, {transform_indices = @transform_1, window_bounds = array<i64: 1>}, {transform_indices = @transform_2, window_bounds = array<i64: 2, 1000, 128>}, {transform_indices = @transform_3, window_bounds = array<i64: 2, 1000, 128>}, {transform_indices = @transform_4, window_bounds = array<i64: 2, 1000, 128>}, {pipeline_mode = #tpu.pipeline_mode<synchronous>, transform_indices = @transform_5, window_bounds = array<i64: 1, 256>}, {pipeline_mode = #tpu.pipeline_mode<synchronous>, transform_indices = @transform_6, window_bounds = array<i64: 10, 1000>}, {pipeline_mode = #tpu.pipeline_mode<synchronous>, transform_indices = @transform_7, window_bounds = array<i64: 20, 64>}, {pipeline_mode = #tpu.pipeline_mode<synchronous>, transform_indices = @transform_8, window_bounds = array<i64: 320, 256>}, {pipeline_mode = #tpu.pipeline_mode<synchronous>, transform_indices = @transform_9, window_bounds = array<i64: 1, 256>}, {pipeline_mode = #tpu.pipeline_mode<synchronous>, transform_indices = @transform_10, window_bounds = array<i64: 256, 1>}, {pipeline_mode = #tpu.pipeline_mode<synchronous>, transform_indices = @transform_11, window_bounds = array<i64: 1, 1>}, {pipeline_mode = #tpu.pipeline_mode<synchronous>, transform_indices = @transform_12, window_bounds = array<i64: 1, 1>}]} {
    %get3A = arith.constant 0 : index
    %get3A_0 = arith.constant 0 : index
    %get3A_1 = arith.constant 0 : index
    %get3A_2 = vector.load %arg3[%get3A, %get3A_0, %get3A_1] : memref<2x1000x128xf32, #tpu.memory_space<vmem>>, vector<1x1000x1xf32>
    %get3A_3 = vector.shape_cast %get3A_2 : vector<1x1000x1xf32> to vector<1000x1xf32>
    %get3A_4 = arith.constant 1 : index
    %get3A_5 = arith.constant 0 : index
    %get3A_6 = arith.constant 0 : index
    %get3A_7 = vector.load %arg3[%get3A_4, %get3A_5, %get3A_6] : memref<2x1000x128xf32, #tpu.memory_space<vmem>>, vector<1x1000x1xf32>
    %get3A_8 = vector.shape_cast %get3A_7 : vector<1x1000x1xf32> to vector<1000x1xf32>
    %add3A = arith.addf %get3A_3, %get3A_8 : vector<1000x1xf32>
    %add3A_9 = arith.constant 1.000000e+00 : f32
    %add3A_10 = vector.broadcast %add3A_9 : f32 to vector<1000x1xf32>
    %add3A_11 = arith.addf %add3A, %add3A_10 : vector<1000x1xf32>
    %rsqrt3A = math.rsqrt %add3A_11 : vector<1000x1xf32>
    %get3A_12 = arith.constant 0 : index
    %get3A_13 = arith.constant 0 : index
    %get3A_14 = arith.constant 0 : index
    %get3A_15 = vector.load %arg4[%get3A_12, %get3A_13, %get3A_14] : memref<2x1000x128xf32, #tpu.memory_space<vmem>>, vector<1x1000x128xf32>
    %get3A_16 = vector.shape_cast %get3A_15 : vector<1x1000x128xf32> to vector<1000x128xf32>
    %get3A_17 = arith.constant 0 : index
    %get3A_18 = arith.constant 0 : index
    %get3A_19 = arith.constant 0 : index
    %get3A_20 = vector.load %arg5[%get3A_17, %get3A_18, %get3A_19] : memref<2x1000x128xf32, #tpu.memory_space<vmem>>, vector<1x1000x128xf32>
    %get3A_21 = vector.shape_cast %get3A_20 : vector<1x1000x128xf32> to vector<1000x128xf32>
    %add3A_22 = arith.addf %get3A_16, %get3A_21 : vector<1000x128xf32>
    %mul3A = vector.broadcast %rsqrt3A : vector<1000x1xf32> to vector<1000x128xf32>
    %mul3A_23 = arith.mulf %mul3A, %add3A_22 : vector<1000x128xf32>
    %get3A_24 = arith.constant 0 : index
    %get3A_25 = arith.constant 0 : index
    %get3A_26 = vector.load %arg6[%get3A_24, %get3A_25] : memref<1x256xf32, #tpu.memory_space<vmem>>, vector<1x128xf32>
    %add3A_27 = vector.broadcast %get3A_26 : vector<1x128xf32> to vector<1000x128xf32>
    %add3A_28 = arith.addf %mul3A_23, %add3A_27 : vector<1000x128xf32>
    %max3A = arith.constant 0.000000e+00 : f32
    %max3A_29 = vector.broadcast %max3A : f32 to vector<1000x128xf32>
    %max3A_30 = arith.maximumf %add3A_28, %max3A_29 : vector<1000x128xf32>
    %get3A_31 = arith.constant 1 : index
    %get3A_32 = arith.constant 0 : index
    %get3A_33 = arith.constant 0 : index
    %get3A_34 = vector.load %arg4[%get3A_31, %get3A_32, %get3A_33] : memref<2x1000x128xf32, #tpu.memory_space<vmem>>, vector<1x1000x128xf32>
    %get3A_35 = vector.shape_cast %get3A_34 : vector<1x1000x128xf32> to vector<1000x128xf32>
    %get3A_36 = arith.constant 1 : index
    %get3A_37 = arith.constant 0 : index
    %get3A_38 = arith.constant 0 : index
    %get3A_39 = vector.load %arg5[%get3A_36, %get3A_37, %get3A_38] : memref<2x1000x128xf32, #tpu.memory_space<vmem>>, vector<1x1000x128xf32>
    %get3A_40 = vector.shape_cast %get3A_39 : vector<1x1000x128xf32> to vector<1000x128xf32>
    %add3A_41 = arith.addf %get3A_35, %get3A_40 : vector<1000x128xf32>
    %mul3A_42 = vector.broadcast %rsqrt3A : vector<1000x1xf32> to vector<1000x128xf32>
    %mul3A_43 = arith.mulf %mul3A_42, %add3A_41 : vector<1000x128xf32>
    %get3A_44 = arith.constant 0 : index
    %get3A_45 = arith.constant 128 : index
    %get3A_46 = vector.load %arg6[%get3A_44, %get3A_45] : memref<1x256xf32, #tpu.memory_space<vmem>>, vector<1x128xf32>
    %add3A_47 = vector.broadcast %get3A_46 : vector<1x128xf32> to vector<1000x128xf32>
    %add3A_48 = arith.addf %mul3A_43, %add3A_47 : vector<1000x128xf32>
    %max3A_49 = arith.constant 0.000000e+00 : f32
    %max3A_50 = vector.broadcast %max3A_49 : f32 to vector<1000x128xf32>
    %max3A_51 = arith.maximumf %add3A_48, %max3A_50 : vector<1000x128xf32>
    %concatenate3A = tpu.concatenate %max3A_30, %max3A_51 in 1 : vector<1000x128xf32>, vector<1000x128xf32> -> vector<1000x256xf32>
    %get3A_52 = arith.index_cast %arg0 : i32 to index
    %get3A_53 = arith.constant 0 : index
    %get3A_54 = vector.load %arg7[%get3A_52, %get3A_53] : memref<10x1000xf32, #tpu.memory_space<vmem>>, vector<1x1000xf32>
    %dot_general3A = arith.constant dense<0.000000e+00> : vector<1x256xf32>
    %dot_general3A_55 = tpu.matmul %get3A_54, %concatenate3A, %dot_general3A {dimension_numbers = #tpu.dot_dimension_numbers<[1], [0], [0], [1], [0, 0, 1, 1], [], []>, transpose_lhs_hint = false} : vector<1x1000xf32>, vector<1000x256xf32>, vector<1x256xf32> -> vector<1x256xf32>
    %eq3A = arith.constant 0 : i32
    %eq3A_56 = arith.cmpi eq, %arg0, %eq3A : i32
    %convert_element_type3A = arith.extui %eq3A_56 : i1 to i32
    %cond3A = arith.constant 0 : i32
    %cond3A_57 = arith.cmpi ne, %convert_element_type3A, %cond3A : i32
    scf.if %cond3A_57 {
      %swap3A = arith.constant 0 : index
      %swap3A_67 = arith.constant 0 : index
      %swap3A_68 = vector.load %arg14[%swap3A, %swap3A_67] : memref<1x256xf32, #tpu.memory_space<vmem>>, vector<1x256xf32>
      tpu.vector_store %arg14[%swap3A, %swap3A_67], %dot_general3A_55 {strides = array<i32>} : memref<1x256xf32, #tpu.memory_space<vmem>>, vector<1x256xf32>,
    } else {
    }
    %ne3A = arith.constant 0 : i32
    %ne3A_58 = arith.cmpi ne, %arg0, %ne3A : i32
    %convert_element_type3A_59 = arith.extui %ne3A_58 : i1 to i32
    %cond3A_60 = arith.constant 0 : i32
    %cond3A_61 = arith.cmpi ne, %convert_element_type3A_59, %cond3A_60 : i32
    scf.if %cond3A_61 {
      %get3A_67 = arith.constant 0 : index
      %get3A_68 = arith.constant 0 : index
      %get3A_69 = vector.load %arg14[%get3A_67, %get3A_68] : memref<1x256xf32, #tpu.memory_space<vmem>>, vector<1x256xf32>
      %add3A_70 = arith.addf %get3A_69, %dot_general3A_55 : vector<1x256xf32>
      %swap3A = arith.constant 0 : index
      %swap3A_71 = arith.constant 0 : index
      %swap3A_72 = vector.load %arg14[%swap3A, %swap3A_71] : memref<1x256xf32, #tpu.memory_space<vmem>>, vector<1x256xf32>
      tpu.vector_store %arg14[%swap3A, %swap3A_71], %add3A_70 {strides = array<i32>} : memref<1x256xf32, #tpu.memory_space<vmem>>, vector<1x256xf32>,
    } else {
    }
    %eq3A_62 = arith.constant 9 : i32
    %eq3A_63 = arith.cmpi eq, %arg0, %eq3A_62 : i32
    %convert_element_type3A_64 = arith.extui %eq3A_63 : i1 to i32
    %cond3A_65 = arith.constant 0 : i32
    %cond3A_66 = arith.cmpi ne, %convert_element_type3A_64, %cond3A_65 : i32
    scf.if %cond3A_66 {
      %get3A_67 = arith.constant 0 : index
      %get3A_68 = arith.constant 0 : index
      %get3A_69 = vector.load %arg14[%get3A_67, %get3A_68] : memref<1x256xf32, #tpu.memory_space<vmem>>, vector<1x256xf32>
      %get3A_70 = arith.constant 0 : index
      %get3A_71 = memref.load %arg1[%get3A_70] : memref<1xi32, #tpu.memory_space<smem>>
      %get3A_72 = arith.constant 0 : index
      %get3A_73 = memref.load %arg2[%get3A_72] : memref<1xi32, #tpu.memory_space<smem>>
      %get3A_74 = arith.index_cast %get3A_73 : i32 to index
      %get3A_75 = arith.constant 0 : index
      %get3A_76 = vector.load %arg8[%get3A_74, %get3A_75] : memref<20x64xf32, #tpu.memory_space<vmem>>, vector<1x64xf32>
      %get3A_77 = arith.index_cast %get3A_71 : i32 to index
      %get3A_78 = arith.constant 0 : index
      %get3A_79 = vector.load %arg8[%get3A_77, %get3A_78] : memref<20x64xf32, #tpu.memory_space<vmem>>, vector<1x64xf32>
      %sub3A = arith.subf %get3A_76, %get3A_79 : vector<1x64xf32>
      %get3A_80 = arith.constant 0 : index
      %get3A_81 = arith.constant 0 : index
      %get3A_82 = vector.load %arg9[%get3A_80, %get3A_81] : memref<320x256xf32, #tpu.memory_space<vmem>>, vector<256x256xf32>
      %dot_general3A_83 = arith.constant dense<0.000000e+00> : vector<1x256xf32>
      %dot_general3A_84 = tpu.matmul %get3A_69, %get3A_82, %dot_general3A_83 {dimension_numbers = #tpu.dot_dimension_numbers<[1], [0], [0], [1], [0, 0, 1, 1], [], []>, transpose_lhs_hint = false} : vector<1x256xf32>, vector<256x256xf32>, vector<1x256xf32> -> vector<1x256xf32>
      %get3A_85 = arith.constant 256 : index
      %get3A_86 = arith.constant 0 : index
      %get3A_87 = vector.load %arg9[%get3A_85, %get3A_86] : memref<320x256xf32, #tpu.memory_space<vmem>>, vector<64x256xf32>
      %dot_general3A_88 = arith.constant dense<0.000000e+00> : vector<1x256xf32>
      %dot_general3A_89 = tpu.matmul %sub3A, %get3A_87, %dot_general3A_88 {dimension_numbers = #tpu.dot_dimension_numbers<[1], [0], [0], [1], [0, 0, 1, 1], [], []>, transpose_lhs_hint = false} : vector<1x64xf32>, vector<64x256xf32>, vector<1x256xf32> -> vector<1x256xf32>
      %add3A_90 = arith.addf %dot_general3A_84, %dot_general3A_89 : vector<1x256xf32>
      %get3A_91 = arith.constant 0 : index
      %get3A_92 = arith.constant 0 : index
      %get3A_93 = vector.load %arg10[%get3A_91, %get3A_92] : memref<1x256xf32, #tpu.memory_space<vmem>>, vector<1x256xf32>
      %add3A_94 = arith.addf %add3A_90, %get3A_93 : vector<1x256xf32>
      %max3A_95 = arith.constant 0.000000e+00 : f32
      %max3A_96 = vector.broadcast %max3A_95 : f32 to vector<1x256xf32>
      %max3A_97 = arith.maximumf %add3A_94, %max3A_96 : vector<1x256xf32>
      %get3A_98 = arith.constant 0 : index
      %get3A_99 = arith.constant 0 : index
      %get3A_100 = vector.load %arg11[%get3A_98, %get3A_99] : memref<256x1xf32, #tpu.memory_space<vmem>>, vector<256x1xf32>
      %dot_general3A_101 = arith.constant dense<0.000000e+00> : vector<1x1xf32>
      %dot_general3A_102 = tpu.matmul %max3A_97, %get3A_100, %dot_general3A_101 {dimension_numbers = #tpu.dot_dimension_numbers<[1], [0], [0], [1], [0, 0, 1, 1], [], []>, transpose_lhs_hint = false} : vector<1x256xf32>, vector<256x1xf32>, vector<1x1xf32> -> vector<1x1xf32>
      %get3A_103 = arith.constant 0 : index
      %get3A_104 = arith.constant 0 : index
      %get3A_105 = vector.load %arg12[%get3A_103, %get3A_104] : memref<1x1xf32, #tpu.memory_space<vmem>>, vector<1x1xf32>
      %add3A_106 = arith.addf %dot_general3A_102, %get3A_105 : vector<1x1xf32>
      %swap3A = arith.constant 0 : index
      %swap3A_107 = arith.constant 0 : index
      %swap3A_108 = vector.load %arg13[%swap3A, %swap3A_107] : memref<1x1xf32, #tpu.memory_space<vmem>>, vector<1x1xf32>
      tpu.vector_store %arg13[%swap3A, %swap3A_107], %add3A_106 {strides = array<i32>} : memref<1x1xf32, #tpu.memory_space<vmem>>, vector<1x1xf32>,
    } else {
    }
    return
  }
  func.func @transform_0(%arg0: i32) -> i32 {
    %c0_i32 = arith.constant 0 : i32
    %c0_i32_0 = arith.constant 0 : i32
    return %c0_i32 : i32
  }
  func.func @transform_1(%arg0: i32) -> i32 {
    %c0_i32 = arith.constant 0 : i32
    %c0_i32_0 = arith.constant 0 : i32
    return %c0_i32 : i32
  }
  func.func @transform_2(%arg0: i32) -> (i32, i32, i32) {
    %c0_i32 = arith.constant 0 : i32
    %c0_i32_0 = arith.constant 0 : i32
    %c0_i32_1 = arith.constant 0 : i32
    return %c0_i32, %arg0, %c0_i32_0 : i32, i32, i32
  }
  func.func @transform_3(%arg0: i32) -> (i32, i32, i32) {
    %c0_i32 = arith.constant 0 : i32
    %c0_i32_0 = arith.constant 0 : i32
    %c0_i32_1 = arith.constant 0 : i32
    return %c0_i32, %arg0, %c0_i32_0 : i32, i32, i32
  }
  func.func @transform_4(%arg0: i32) -> (i32, i32, i32) {
    %c0_i32 = arith.constant 0 : i32
    %c0_i32_0 = arith.constant 0 : i32
    %c0_i32_1 = arith.constant 0 : i32
    return %c0_i32, %arg0, %c0_i32_0 : i32, i32, i32
  }
  func.func @transform_5(%arg0: i32) -> (i32, i32) {
    %c0_i32 = arith.constant 0 : i32
    %c0_i32_0 = arith.constant 0 : i32
    %c0_i32_1 = arith.constant 0 : i32
    return %c0_i32, %c0_i32_0 : i32, i32
  }
  func.func @transform_6(%arg0: i32) -> (i32, i32) {
    %c0_i32 = arith.constant 0 : i32
    %c0_i32_0 = arith.constant 0 : i32
    %c0_i32_1 = arith.constant 0 : i32
    return %c0_i32, %c0_i32_0 : i32, i32
  }
  func.func @transform_7(%arg0: i32) -> (i32, i32) {
    %c0_i32 = arith.constant 0 : i32
    %c0_i32_0 = arith.constant 0 : i32
    %c0_i32_1 = arith.constant 0 : i32
    return %c0_i32, %c0_i32_0 : i32, i32
  }
  func.func @transform_8(%arg0: i32) -> (i32, i32) {
    %c0_i32 = arith.constant 0 : i32
    %c0_i32_0 = arith.constant 0 : i32
    %c0_i32_1 = arith.constant 0 : i32
    return %c0_i32, %c0_i32_0 : i32, i32
  }
  func.func @transform_9(%arg0: i32) -> (i32, i32) {
    %c0_i32 = arith.constant 0 : i32
    %c0_i32_0 = arith.constant 0 : i32
    %c0_i32_1 = arith.constant 0 : i32
    return %c0_i32, %c0_i32_0 : i32, i32
  }
  func.func @transform_10(%arg0: i32) -> (i32, i32) {
    %c0_i32 = arith.constant 0 : i32
    %c0_i32_0 = arith.constant 0 : i32
    %c0_i32_1 = arith.constant 0 : i32
    return %c0_i32, %c0_i32_0 : i32, i32
  }
  func.func @transform_11(%arg0: i32) -> (i32, i32) {
    %c0_i32 = arith.constant 0 : i32
    %c0_i32_0 = arith.constant 0 : i32
    %c0_i32_1 = arith.constant 0 : i32
    return %c0_i32, %c0_i32_0 : i32, i32
  }
  func.func @transform_12(%arg0: i32) -> (i32, i32) {
    %c0_i32 = arith.constant 0 : i32
    %c0_i32_0 = arith.constant 0 : i32
    %c0_i32_1 = arith.constant 0 : i32
    return %c0_i32, %c0_i32_0 : i32, i32
  }
}

</mosaic_0001>

<sc_bundles>
// kernel: kernel.12.cloned.1.call-start
scs
__scs_entry_jumppad:
0x0: {  	(pc) =	sbr.rel $0x88, $3  }
0x1: {  	(tag) =	ssettag $0x0;
	lr =	simm.s32 $0x1  }
0x2: {  	[smem:$0x3F93] =	sst lr;
	_ =	strace $0xD0000000  }
0x3: {  	_ = 	snop  }
0x4: {  	_ = 	snop  }
0x5: {  	_ = 	snop  }
0x6: {  	_ = 	snop  }
0x7: {  	_ = 	snop  }
__scs_overlays_trampoline_lowered:
0x8: {  	[smem:$0x3FA2] =	sst s0  }
0x9: {  	[smem:$0x3FA3] =	sst s1  }
0xa: {  	[smem:$0x3FA4] =	sst s2  }
0xb: {  	[smem:$0x3FA5] =	sst s3  }
0xc: {  	[smem:$0x3FA6] =	sst s4  }
0xd: {  	[smem:$0x3FA7] =	sst s5  }
0xe: {  	[smem:$0x3FA8] =	sst s6  }
0xf: {  	[smem:$0x3FA9] =	sst s7  }
0x10: {  	[smem:$0x3FAA] =	sst s8  }
0x11: {  	[smem:$0x3FAB] =	sst s9;
	s0 =	simm.s32 @!p0 $0x0  }
0x12: {  	s1 =	sld [smem:$0x3F91];
	s0 =	simm.s32 @p0 $0x1  }
0x13: {  	[smem:$0x3FAC] =	sst s0;
	s0 =	simm.s32 @!p1 $0x0  }
0x14: {  	s2 =	sld [smem:$0x3F90];
	s0 =	simm.s32 @p1 $0x1  }
0x15: {  	[smem:$0x3FAD] =	sst s0;
	s0 =	simm.s32 @!p2 $0x0  }
0x16: {  	s3 =	sld [smem:$0x3FDB];
	s0 =	simm.s32 @p2 $0x1  }
0x17: {  	s4 =	simm.s32 $0x1BF5;
	[smem:$0x3FAF] =	sst s0  }
0x18: {  	s0 =	sld [smem:$0x3F92];
	_ =	swait.ge [sflag:s4], $0x0  }
0x19: {  	s7 =	sld [smem:$0x3F93]  }
0x1a: {  	s8 =	sadd.s32 $0xFFFFE003, lr  }
0x1b: {  	s9 =	sadd.s32 $0xFFFFFEF7, lr;
	s5 =	simm.s32 $0xFFFFFFFF;
	p2 =	slt.u32 s8, $0xFFFFF086  }
0x1c: {  	p1 =	slt.u32 s9, $0xF7A;
	s5 =	simm.s32 @!p2 $0x0  }
0x1d: {  	s5 =	simm.s32 @p1 $0x1;
	p0 =	seq.s32 s7, s2  }
0x1e: {  	s7 =	smul.u32 @!p0 $0xF7A, s2;
	p2 =	seq.s32 @!p0 s5, $0x0  }
0x1f: {  	s9 =	smul.u32 $0xF7A, s1;
	s8 =	simm.s32 @!p0 $0x1BF5;
	p2 =	por !p2, p0  }
0x20: {  	[sflag:s8] =	ssyncset.s32 @!p0 $0xFFFFF086;
	s6 =	sadd.s32 @!p0 s3, s7;
	s7 =	simm.s32 @!p0 $0x108  }
0x21: {  	s3 =	sadd.s32 s3, s9;
	s6 =	sadd.s32 @!p0 $0x88, s6;
	s7 =	simm.s32 @p2 $0x1082  }
0x22: {  	[simem:s7], [sflag:s8] =	dma.local @!p0 [hbm:s6], $0xF7A  }
0x23: {  	s9 =	sor.u32 $0xD0000000, s2;
	s6 =	simm.s32 $0x108;
	_ =	swait.ge @!p0 [sflag:s8], $0x0  }
0x24: {  	s3 =	sadd.s32 $0x88, s3;
	s6 =	simm.s32 @!p1 $0x1082;
	[sflag:s4] =	ssyncset.s32 $0xFFFFF086  }
0x25: {  	[simem:s6], [sflag:s4] =	dma.local [hbm:s3], $0xF7A  }
0x26: {  	[smem:$0x3F93] =	sst s1;
	(tag) =	ssettag s2;
	_ =	strace s9  }
0x27: {  	s1 =	sld [smem:$0x3FA3]  }
0x28: {  	s2 =	sld [smem:$0x3FA4]  }
0x29: {  	s4 =	sld [smem:$0x3FA6]  }
0x2a: {  	p0 =	seq.s32 s5, $0x0;
	s5 =	sld [smem:$0x3FA7]  }
0x2b: {  	s6 =	sld [smem:$0x3FA8]  }
0x2c: {  	s7 =	sld [smem:$0x3FA9]  }
0x2d: {  	s3 =	simm.s32 $0x108;
	s8 =	sld [smem:$0x3FAA]  }
0x2e: {  	s3 =	simm.s32 @!p0 $0x1082;
	s9 =	sld [smem:$0x3FAB]  }
0x2f: {  	lr =	sadd.s32 s0, s3;
	s0 =	sld [smem:$0x3FA2]  }
0x30: {  	s3 =	sld [smem:$0x3FA5]  }
0x31: {  	[smem:$0x3FAE] =	sst s10  }
0x32: {  	s10 =	sld [smem:$0x3FAC];
	_ =	sdelay $0x3  }
0x33: {  	p0 =	seq.s32 s10, $0x1;
	s10 =	sld [smem:$0x3FAE];
	_ =	sdelay $0x3  }
0x34: {  	[smem:$0x3FAE] =	sst s10  }
0x35: {  	s10 =	sld [smem:$0x3FAD];
	_ =	sdelay $0x3  }
0x36: {  	p1 =	seq.s32 s10, $0x1;
	s10 =	sld [smem:$0x3FAE];
	_ =	sdelay $0x3  }
0x37: {  	[smem:$0x3FAE] =	sst s10  }
0x38: {  	s10 =	sld [smem:$0x3FAF]  }
0x39: {  	_ = 	snop;
	(pc) =	sbr.ind lr, $3  }
0x3a: {  	_ = 	snop  }
0x3b: {  	_ = 	snop  }
0x3c: {  	p2 =	seq.s32 s10, $0x1;
	s10 =	sld [smem:$0x3FAE]  }
0x3d: {  	_ =	shalt  }
0x3e: {  	_ =	shalt  }
0x3f: {  	_ =	shalt  }
0x40: {  	_ =	shalt  }
0x41: {  	_ =	shalt  }
0x42: {  	_ =	shalt  }
0x43: {  	_ =	shalt  }
0x44: {  	_ =	shalt  }
0x45: {  	_ =	shalt  }
0x46: {  	_ =	shalt  }
0x47: {  	_ =	shalt  }
0x48: {  	_ =	shalt  }
0x49: {  	_ =	shalt  }
0x4a: {  	_ =	shalt  }
0x4b: {  	_ =	shalt  }
0x4c: {  	_ =	shalt  }
0x4d: {  	_ =	shalt  }
0x4e: {  	_ =	shalt  }
0x4f: {  	_ =	shalt  }
0x50: {  	_ =	shalt  }
0x51: {  	_ =	shalt  }
0x52: {  	_ =	shalt  }
0x53: {  	_ =	shalt  }
0x54: {  	_ =	shalt  }
0x55: {  	_ =	shalt  }
0x56: {  	_ =	shalt  }
0x57: {  	_ =	shalt  }
0x58: {  	_ =	shalt  }
0x59: {  	_ =	shalt  }
0x5a: {  	_ =	shalt  }
0x5b: {  	_ =	shalt  }
0x5c: {  	_ =	shalt  }
0x5d: {  	_ =	shalt  }
0x5e: {  	_ =	shalt  }
0x5f: {  	_ =	shalt  }
0x60: {  	_ =	shalt  }
0x61: {  	_ =	shalt  }
0x62: {  	_ =	shalt  }
0x63: {  	_ =	shalt  }
0x64: {  	_ =	shalt  }
0x65: {  	_ =	shalt  }
0x66: {  	_ =	shalt  }
0x67: {  	_ =	shalt  }
0x68: {  	_ =	shalt  }
0x69: {  	_ =	shalt  }
0x6a: {  	_ =	shalt  }
0x6b: {  	_ =	shalt  }
0x6c: {  	_ =	shalt  }
0x6d: {  	_ =	shalt  }
0x6e: {  	_ =	shalt  }
0x6f: {  	_ =	shalt  }
0x70: {  	_ =	shalt  }
0x71: {  	_ =	shalt  }
0x72: {  	_ =	shalt  }
0x73: {  	_ =	shalt  }
0x74: {  	_ =	shalt  }
0x75: {  	_ =	shalt  }
0x76: {  	_ =	shalt  }
0x77: {  	_ =	shalt  }
0x78: {  	_ =	shalt  }
0x79: {  	_ =	shalt  }
0x7a: {  	_ =	shalt  }
0x7b: {  	_ =	shalt  }
0x7c: {  	_ =	shalt  }
0x7d: {  	_ =	shalt  }
0x7e: {  	_ =	shalt  }
0x7f: {  	_ =	shalt  }
0x80: {  	_ =	shalt  }
0x81: {  	_ =	shalt  }
0x82: {  	_ =	shalt  }
0x83: {  	_ =	shalt  }
0x84: {  	_ =	shalt  }
0x85: {  	_ =	shalt  }
0x86: {  	_ =	shalt  }
0x87: {  	_ =	shalt  }
.Lfunc_end0:
.L_simem_size_0:
called_computation.1_lowered:
.L_overlay_start_0:
0x88: {  	s2 =	sld [smem:$0x3FD9]  }
0x89: {  	s3 =	sld [smem:$0x3FFE];
	_ =	sdelay $0x1  }
0x8a: {  	s1 =	srdreg.scid  }
0x8b: {  	s0 =	sand.u32 $0x1, s1  }
0x8c: {  	s16 =	sshll.u32 s0, $0xA;
	s2 =	sadd.s32 s3, s2  }
0x8d: {  	s2 =	sadd.s32 s2, s16  }
0x8e: {  	[smem:$0x3FBA] =	sst s2  }
0x8f: {  	_ = 	snop  }
0x90: {  	(tm) =	ssettm $0x1  }
0x91: {  	s17 =	sld [smem:$0x3FFB];
	_ =	sdelay $0x3  }
0x92: {  	_ =	strace s17  }
0x93: {  	s2 =	sld [smem:$0x3FFC];
	_ =	sdelay $0x3  }
0x94: {  	_ =	strace s2  }
0x95: {  	s2 =	sld [smem:$0x3FFD];
	_ =	sdelay $0x3  }
0x96: {  	_ =	strace s2  }
0x97: {  	_ =	strace $0x8FFFFFFF  }
0x98: {  	s18 =	sld [smem:$0x3FDB];
	_ =	sdelay $0x1  }
0x99: {  	s19 =	simm.s32 $_scs_section_size  }
0x9a: {  	s4 =	simm.s32 $_size__tile_overlayer_lowered;
	s5 =	simm.s32 $_tile_overlayer_lowered  }
0x9b: {  	s22 =	simm.s32 $0x1BFF;
	s21 =	sshll.u32 s5, $0x1;
	s2 =	sadd.s32 s19, s18  }
0x9c: {  	s6 =	simm.s32 $0x0;
	s20 =	sshll.u32 s4, $0x1;
	s4 =	sadd.s32 s21, s2  }
0x9d: {  	[timem:s6], [sflag:s22] =	dma.local [hbm:s4], s20  }
0x9e: {  	_ =	swait.ge [sflag:s22], s20  }
0x9f: {  	s3 =	ssub.s32 $0x0, s20;
	[sflag:s22] =	ssyncset.done $0x0  }
0xa0: {  	[sflag:s22] =	ssyncadd.s32 s3;
	_ =	sdelay $0x1  }
0xa1: {  	s23 =	simm.s32 $0x1B8B  }
0xa2: {  	_ =	swait.ge [sflag:s23], $0x1  }
0xa3: {  	[sflag:s23] =	ssyncset.done $0x0  }
0xa4: {  	s25 =	simm.s32 $0x1B8E;
	s24 =	sld [smem:$0x3FFE];
	[sflag:s23] =	ssyncadd.s32 $0xFFFFFFFF  }
0xa5: {  	s26 =	simm.s32 $execute0_lowered;
	[smem:$0x3FD2] =	sst s25  }
0xa6: {  	s4 =	sshll.u32 s26, $0x1;
	_ =	strace $0x80000049;
	[dreg:$0x1] =	wrdreg $0xFFFFFFFF  }
0xa7: {  	s28 =	simm.s32 $_size_execute0_lowered;
	s2 =	sadd.s32 s2, s4;
	[dreg:$0x0] =	wrdreg $0x0  }
0xa8: {  	s4 =	sshll.u32 s28, $0x1;
	[dreg:$0x2] =	wrdreg s2  }
0xa9: {  	[dreg:$0x3] =	wrdreg s4  }
0xaa: {  	[dreg:$0x4] =	wrdreg $0xC0  }
0xab: {  	_ =	task [dreg:s6], $0x5FFFF  }
0xac: {  	[dreg:$0x1] =	wrdreg $0xFFFFFFFF  }
0xad: {  	[dreg:$0x0] =	wrdreg $0x60  }
0xae: {  	[dreg:$0x2] =	wrdreg s24  }
0xaf: {  	[dreg:$0x3] =	wrdreg $0xA8000  }
0xb0: {  	[dreg:$0x4] =	wrdreg $0x9  }
0xb1: {  	_ =	task.clear_ibuf [dreg:s6], $0x5FFFF;
	_ =	strace $0x90000049  }
0xb2: {  	s29 =	simm.s32 $0x9;
	_ =	strace $0x8000004B  }
0xb3: {  	_ =	swait.ge [sflag:s29], $0x1  }
0xb4: {  	[sflag:s29] =	ssyncadd.s32 $0xFFFFFFFF  }
0xb5: {  	_ =	strace $0x9000004B  }
0xb6: {  	_ =	sfence  }
0xb7: {  	s30 =	sld [smem:$0x0];
	_ =	sdelay $0x2  }
0xb8: {  	s31 =	sshll.u32 s1, $0xD;
	s1 =	sshrl.u32 s1, $0x2  }
0xb9: {  	s3 =	sand.u32 $0x4000, s31;
	s1 =	sadd.s32 s1, s30  }
0xba: {  	s0 =	sor.u32 s3, s0;
	s1 =	sshll.u32 s1, $0x11  }
0xbb: {  	s0 =	sor.u32 s1, s0  }
0xbc: {  	s0 =	sadd.s32 $0x8F2B, s0  }
0xbd: {  	[sflag:s0] =	ssyncadd.remote.s32 $0x1  }
0xbe: {  	_ =	sfence.sel $0xFFFF  }
0xbf: {  	[dreg:$0x0] =	wrdreg $0xFFFFFFFF;
	(pc) =	sbr.abs _section_cstart, $3  }
0xc0: {  	[dreg:$0x1] =	wrdreg $0xFFFFFFFF  }
0xc1: {  	_ =	task.clear_ibuf [dreg:s6], $0x2FFFF;
	_ =	strace $0x9FFFFFFF  }
0xc2: {  	(tm) =	ssettm $0x7FFFFFFF  }
0xc3: {  	_ =	shalt  }
tec
execute0_lowered:
.L_overlay_start_1:
0x0: {  	(tag) =	ssettag $0x1  }
0x1: {  	s6 =	rddreg [dreg:$0x0]  }
0x2: {  	s0 =	srdreg.scid;
	s2 =	rddreg [dreg:$0x1]  }
0x3: {  	s3 =	simm.s32 $0x0;
	s14 =	simm.s32 $0x3;
	s15 =	simm.s32 $0x1400  }
0x4: {  	s16 =	simm.s32 $0x80;
	s17 =	simm.s32 $0x2800;
	s18 =	simm.s32 $0x6800  }
0x5: {  	s19 =	simm.s32 $0x1;
	s5 =	sand.u32 $0x1, s0;
	s0 =	stileid.u32  }
0x6: {  	s20 =	simm.s32 $0x2;
	s21 =	simm.s32 $0x2700;
	s8 =	smul.u32 $0x2800, s0  }
0x7: {  	s22 =	simm.s32 $0x2780;
	s23 =	simm.s32 $0x0;
	s9 =	smul.u32 $0x13C00, s0  }
0x8: {  	[smem:$0x7FF] =	sst s3;
	s1 =	sshll.u32 s5, $0x4;
	s10 =	smul.u32 $0x13C000, s5  }
0x9: {  	s5 =	ssub.s32 $0x2, s5;
	s28 =	smul.u32 $0x4F000, s0;
	s31 =	sshll.u32 s0, $0x6  }
0xa: {  	s4 =	sor.u32 s0, s1;
	s1 =	rddreg [dreg:$0x2];
	_ =	strace $0x8000004A  }
0xb: {  	s29 =	sshrl.u32 s5, $0x1;
	s7 =	smul.u32 $0x2800, s4;
	s4 =	sadd.s32 $0x89600, s6  }
0xc: {  	s8 =	sshrl.u32 s8, $0x3;
	s25 =	sshrl.u32 s9, $0x3;
	s26 =	sadd.s32 s9, s10  }
0xd: {  	s10 =	ssub.s32 s5, s29;
	s30 =	sshrl.u32 s28, $0x2;
	s12 =	sadd.s32 s8, s6  }
0xe: {  	s8 =	sshrl.u32 s26, $0x3;
	s13 =	sadd.s32 s30, s2;
	s7 =	sshrl.u32 s7, $0x3  }
0xf: {  	s8 =	sadd.s32 s8, s6;
	s11 =	sadd.s32 s7, s6;
	s7 =	sadd.s32 s25, s6  }
0x10: {  	s13 =	sshrl.u32 s13, $0x3;
	s6 =	sor.u32 $0x1C03, s31;
	s5 =	sadd.s32 $0x8600, s7  }
0x11: {  	s7 =	sadd.s32 $0xD7800, s8;
	s8 =	smax.u32 s10, $0x1;
	s9 =	sadd.s32 $0x7F600, s11  }
0x12: {  	s10 =	sadd.s32 $0x3600, s12;
	s11 =	sadd.s32 $0x7F880, s11;
	s12 =	sadd.s32 $0x3880, s12  }
.LBB2_1:
0x13: {  	[spmem:s13], [sflag:s6] =	dma.local [hbm:s5], $0x2780  }
0x14: {  	_ =	swait.ge [sflag:s14], $0x2780  }
0x15: {  	[sflag:s14] =	ssyncset.done $0x0  }
0x16: {  	[sflag:s14] =	ssyncadd.s32 $0xFFFFD880  }
0x17: {  	[bflag:$0x0] =	sbarrier.arrive $0xFFFF  }
0x18: {  	[tilespmem:s3], [sflag:$0x3] =	stream.linear.gather [hbm4b:s9+s3], $0x1400, $0x38;
	[tilespmem:$0x1E400] =	vst v63  }
0x19: {  	_ =	swait.ge [sflag:s14], $0x1400  }
0x1a: {  	[sflag:s14] =	ssyncset.done $0x0  }
0x1b: {  	[sflag:s14] =	ssyncadd.s32 $0xFFFFEC00  }
0x1c: {  	[tilespmem:s15], [sflag:$0x3] =	stream.linear.gather [hbm4b:s10+s3], $0x1400, $0x38;
	[tilespmem:$0x1E400] =	vst v63  }
0x1d: {  	_ =	swait.ge [sflag:s14], $0x1400  }
0x1e: {  	[sflag:s14] =	ssyncset.done $0x0  }
0x1f: {  	[sflag:s14] =	ssyncadd.s32 $0xFFFFEC00  }
0x20: {  	[tilespmem:s17], [sflag:$0x1] =	stream.indirect.gather [hbm4b:s4+s16], $0x80, s3, s16, $0xb8;
	[tilespmem:$0x1E400] =	vst v63  }
0x21: {  	_ = 	snop  }
0x22: {  	[tilespmem:s18], [sflag:$0x2] =	stream.indirect.gather [hbm4b:s4+s16], $0x80, s16, s16, $0xb8;
	[tilespmem:$0x1E400] =	vst v63  }
0x23: {  	_ =	swait.ge [sflag:s19], $0x4000  }
0x24: {  	[sflag:s19] =	ssyncset.done $0x0  }
0x25: {  	s24 =	simm.s32 $0x1400;
	[sflag:s19] =	ssyncadd.s32 $0xFFFFC000  }
0x26: {  	[spmem:s2] =	stream.indirect.scatter.add.f32 [tilespmem:s17], [sflag:$0x3], $0x80, s24, s16, $0xb8;
	[tilespmem:$0x1E400] =	vst v63  }
0x27: {  	_ =	swait.ge [sflag:s14], $0x4000  }
0x28: {  	[sflag:s14] =	ssyncset.done $0x0  }
0x29: {  	s30 =	simm.s32 $0x100;
	[sflag:s14] =	ssyncadd.s32 $0xFFFFC000  }
0x2a: {  	[tilespmem:s17], [sflag:$0x1] =	stream.indirect.gather [hbm4b:s4+s16], $0x80, s30, s16, $0xb8;
	[tilespmem:$0x1E400] =	vst v63  }
0x2b: {  	_ =	swait.ge [sflag:s20], $0x4000  }
0x2c: {  	[sflag:s20] =	ssyncset.done $0x0  }
0x2d: {  	s31 =	simm.s32 $0x1480;
	[sflag:s20] =	ssyncadd.s32 $0xFFFFC000  }
0x2e: {  	[spmem:s2] =	stream.indirect.scatter.add.f32 [tilespmem:s18], [sflag:$0x3], $0x80, s31, s16, $0xb8;
	[tilespmem:$0x1E400] =	vst v63  }
0x2f: {  	_ =	swait.ge [sflag:s14], $0x4000  }
0x30: {  	[sflag:s14] =	ssyncset.done $0x0  }
0x31: {  	s25 =	simm.s32 $0x180;
	s24 =	simm.s32 $0x400;
	[sflag:s14] =	ssyncadd.s32 $0xFFFFC000  }
.LBB2_2:
0x32: {  	[tilespmem:s18], [sflag:$0x2] =	stream.indirect.gather [hbm4b:s4+s16], $0x80, s25, s16, $0xb8;
	[tilespmem:$0x1E400] =	vst v63  }
0x33: {  	s25 =	smov.u32 s24  }
0x34: {  	p0 =	sne.s32 s24, $0x4800;
	s24 =	sadd.s32 $0x400, s24;
	_ =	swait.ge [sflag:s19], $0x4000  }
0x35: {  	s25 =	sshra.s32 s25, $0x2;
	[sflag:s19] =	ssyncset.done $0x0  }
0x36: {  	s26 =	sadd.s32 $0x1400, s25;
	[sflag:s19] =	ssyncadd.s32 $0xFFFFC000  }
0x37: {  	[spmem:s2] =	stream.indirect.scatter.add.f32 [tilespmem:s17], [sflag:$0x3], $0x80, s26, s16, $0xb8;
	[tilespmem:$0x1E400] =	vst v63  }
0x38: {  	_ =	swait.ge [sflag:s14], $0x4000  }
0x39: {  	[sflag:s14] =	ssyncset.done $0x0  }
0x3a: {  	s26 =	sadd.s32 $0x100, s25;
	[sflag:s14] =	ssyncadd.s32 $0xFFFFC000  }
0x3b: {  	[tilespmem:s17], [sflag:$0x1] =	stream.indirect.gather [hbm4b:s4+s16], $0x80, s26, s16, $0xb8;
	[tilespmem:$0x1E400] =	vst v63  }
0x3c: {  	_ =	swait.ge [sflag:s20], $0x4000  }
0x3d: {  	[sflag:s20] =	ssyncset.done $0x0  }
.Ltmp0:
0x3e: {  	s26 =	sadd.s32 $0x1480, s25;
	[sflag:s20] =	ssyncadd.s32 $0xFFFFC000;
	(pc) =	sbr.rel @p0 .LBB2_2-.Ltmp0, $4  }
0x3f: {  	[spmem:s2] =	stream.indirect.scatter.add.f32 [tilespmem:s18], [sflag:$0x3], $0x80, s26, s16, $0xb8;
	[tilespmem:$0x1E400] =	vst v63  }
0x40: {  	_ =	swait.ge [sflag:s14], $0x4000  }
0x41: {  	[sflag:s14] =	ssyncset.done $0x0  }
0x42: {  	s25 =	sadd.s32 $0x180, s25;
	[sflag:s14] =	ssyncadd.s32 $0xFFFFC000  }
0x43: {  	[tilespmem:s18], [sflag:$0x2] =	stream.indirect.gather [hbm4b:s4+s16], $0x80, s25, s16, $0xb8;
	[tilespmem:$0x1E400] =	vst v63  }
0x44: {  	_ =	swait.ge [sflag:s19], $0x4000  }
0x45: {  	[sflag:s19] =	ssyncset.done $0x0  }
0x46: {  	[sflag:s19] =	ssyncadd.s32 $0xFFFFC000  }
0x47: {  	[spmem:s2] =	stream.indirect.scatter.add.f32 [tilespmem:s17], [sflag:$0x3], $0x80, s21, s16, $0xb8;
	[tilespmem:$0x1E400] =	vst v63  }
0x48: {  	_ =	swait.ge [sflag:s14], $0x4000  }
0x49: {  	[sflag:s14] =	ssyncset.done $0x0  }
0x4a: {  	[sflag:s14] =	ssyncadd.s32 $0xFFFFC000  }
0x4b: {  	_ =	swait.ge [sflag:s20], $0x4000  }
0x4c: {  	[sflag:s20] =	ssyncset.done $0x0  }
0x4d: {  	[sflag:s20] =	ssyncadd.s32 $0xFFFFC000  }
0x4e: {  	[spmem:s2] =	stream.indirect.scatter.add.f32 [tilespmem:s18], [sflag:$0x3], $0x80, s22, s16, $0xb8;
	[tilespmem:$0x1E400] =	vst v63  }
0x4f: {  	_ =	swait.ge [sflag:s14], $0x4000  }
0x50: {  	[sflag:s14] =	ssyncset.done $0x0  }
0x51: {  	s24 =	simm.s32 $0x0;
	[sflag:s14] =	ssyncadd.s32 $0xFFFFC000  }
0x52: {  	[tilespmem:s24], [sflag:$0x3] =	stream.linear.gather [hbm4b:s11+s24], $0x1400, $0x38;
	[tilespmem:$0x1E400] =	vst v63  }
0x53: {  	_ =	swait.ge [sflag:s14], $0x1400  }
0x54: {  	[sflag:s14] =	ssyncset.done $0x0  }
0x55: {  	[sflag:s14] =	ssyncadd.s32 $0xFFFFEC00  }
0x56: {  	[tilespmem:s15], [sflag:$0x3] =	stream.linear.gather [hbm4b:s12+s24], $0x1400, $0x38;
	[tilespmem:$0x1E400] =	vst v63  }
0x57: {  	_ =	swait.ge [sflag:s14], $0x1400  }
0x58: {  	[sflag:s14] =	ssyncset.done $0x0  }
0x59: {  	[sflag:s14] =	ssyncadd.s32 $0xFFFFEC00  }
0x5a: {  	[tilespmem:s17], [sflag:$0x1] =	stream.indirect.gather [hbm4b:s4+s16], $0x80, s24, s16, $0xb8;
	[tilespmem:$0x1E400] =	vst v63  }
0x5b: {  	_ = 	snop  }
0x5c: {  	[tilespmem:s18], [sflag:$0x2] =	stream.indirect.gather [hbm4b:s4+s16], $0x80, s16, s16, $0xb8;
	[tilespmem:$0x1E400] =	vst v63  }
0x5d: {  	_ =	swait.ge [sflag:s19], $0x4000  }
0x5e: {  	[sflag:s19] =	ssyncset.done $0x0  }
0x5f: {  	s29 =	simm.s32 $0x1400;
	[sflag:s19] =	ssyncadd.s32 $0xFFFFC000  }
0x60: {  	[spmem:s2] =	stream.indirect.scatter.add.f32 [tilespmem:s17], [sflag:$0x3], $0x80, s29, s16, $0xb8;
	[tilespmem:$0x1E400] =	vst v63  }
0x61: {  	_ =	swait.ge [sflag:s14], $0x4000  }
0x62: {  	[sflag:s14] =	ssyncset.done $0x0  }
0x63: {  	s30 =	simm.s32 $0x100;
	[sflag:s14] =	ssyncadd.s32 $0xFFFFC000  }
0x64: {  	[tilespmem:s17], [sflag:$0x1] =	stream.indirect.gather [hbm4b:s4+s16], $0x80, s30, s16, $0xb8;
	[tilespmem:$0x1E400] =	vst v63  }
0x65: {  	_ =	swait.ge [sflag:s20], $0x4000  }
0x66: {  	[sflag:s20] =	ssyncset.done $0x0  }
0x67: {  	s31 =	simm.s32 $0x1480;
	[sflag:s20] =	ssyncadd.s32 $0xFFFFC000  }
0x68: {  	[spmem:s2] =	stream.indirect.scatter.add.f32 [tilespmem:s18], [sflag:$0x3], $0x80, s31, s16, $0xb8;
	[tilespmem:$0x1E400] =	vst v63  }
0x69: {  	_ =	swait.ge [sflag:s14], $0x4000  }
0x6a: {  	[sflag:s14] =	ssyncset.done $0x0  }
0x6b: {  	s25 =	simm.s32 $0x180;
	s24 =	simm.s32 $0x400;
	[sflag:s14] =	ssyncadd.s32 $0xFFFFC000  }
.LBB2_4:
0x6c: {  	[tilespmem:s18], [sflag:$0x2] =	stream.indirect.gather [hbm4b:s4+s16], $0x80, s25, s16, $0xb8;
	[tilespmem:$0x1E400] =	vst v63  }
0x6d: {  	s25 =	smov.u32 s24  }
0x6e: {  	p0 =	sne.s32 s24, $0x4800;
	s24 =	sadd.s32 $0x400, s24;
	_ =	swait.ge [sflag:s19], $0x4000  }
0x6f: {  	s25 =	sshra.s32 s25, $0x2;
	[sflag:s19] =	ssyncset.done $0x0  }
0x70: {  	s26 =	sadd.s32 $0x1400, s25;
	[sflag:s19] =	ssyncadd.s32 $0xFFFFC000  }
0x71: {  	[spmem:s2] =	stream.indirect.scatter.add.f32 [tilespmem:s17], [sflag:$0x3], $0x80, s26, s16, $0xb8;
	[tilespmem:$0x1E400] =	vst v63  }
0x72: {  	_ =	swait.ge [sflag:s14], $0x4000  }
0x73: {  	[sflag:s14] =	ssyncset.done $0x0  }
0x74: {  	s26 =	sadd.s32 $0x100, s25;
	[sflag:s14] =	ssyncadd.s32 $0xFFFFC000  }
0x75: {  	[tilespmem:s17], [sflag:$0x1] =	stream.indirect.gather [hbm4b:s4+s16], $0x80, s26, s16, $0xb8;
	[tilespmem:$0x1E400] =	vst v63  }
0x76: {  	_ =	swait.ge [sflag:s20], $0x4000  }
0x77: {  	[sflag:s20] =	ssyncset.done $0x0  }
.Ltmp1:
0x78: {  	s26 =	sadd.s32 $0x1480, s25;
	[sflag:s20] =	ssyncadd.s32 $0xFFFFC000;
	(pc) =	sbr.rel @p0 .LBB2_4-.Ltmp1, $4  }
0x79: {  	[spmem:s2] =	stream.indirect.scatter.add.f32 [tilespmem:s18], [sflag:$0x3], $0x80, s26, s16, $0xb8;
	[tilespmem:$0x1E400] =	vst v63  }
0x7a: {  	_ =	swait.ge [sflag:s14], $0x4000  }
0x7b: {  	[sflag:s14] =	ssyncset.done $0x0  }
0x7c: {  	s25 =	sadd.s32 $0x180, s25;
	[sflag:s14] =	ssyncadd.s32 $0xFFFFC000  }
0x7d: {  	[tilespmem:s18], [sflag:$0x2] =	stream.indirect.gather [hbm4b:s4+s16], $0x80, s25, s16, $0xb8;
	[tilespmem:$0x1E400] =	vst v63  }
0x7e: {  	_ =	swait.ge [sflag:s19], $0x4000  }
0x7f: {  	[sflag:s19] =	ssyncset.done $0x0  }
0x80: {  	[sflag:s19] =	ssyncadd.s32 $0xFFFFC000  }
0x81: {  	[spmem:s2] =	stream.indirect.scatter.add.f32 [tilespmem:s17], [sflag:$0x3], $0x80, s21, s16, $0xb8;
	[tilespmem:$0x1E400] =	vst v63  }
0x82: {  	_ =	swait.ge [sflag:s14], $0x4000  }
0x83: {  	[sflag:s14] =	ssyncset.done $0x0  }
0x84: {  	[sflag:s14] =	ssyncadd.s32 $0xFFFFC000  }
0x85: {  	_ =	swait.ge [sflag:s20], $0x4000  }
0x86: {  	[sflag:s20] =	ssyncset.done $0x0  }
0x87: {  	[sflag:s20] =	ssyncadd.s32 $0xFFFFC000  }
0x88: {  	[spmem:s2] =	stream.indirect.scatter.add.f32 [tilespmem:s18], [sflag:$0x3], $0x80, s22, s16, $0xb8;
	[tilespmem:$0x1E400] =	vst v63  }
0x89: {  	_ =	swait.ge [sflag:s14], $0x4000  }
0x8a: {  	s23 =	sadd.s32 $0x1, s23;
	[sflag:s14] =	ssyncset.done $0x0  }
0x8b: {  	p0 =	sne.s32 s23, s8;
	[sflag:s14] =	ssyncadd.s32 $0xFFFFC000  }
.Ltmp2:
0x8c: {  	[bflag:$0x0] =	sbarrier.arrive $0xFFFF;
	(pc) =	sbr.rel @p0 .LBB2_1-.Ltmp2, $4  }
0x8d: {  	[hbm:s7], [sflag:s6] =	dma.local [spmem:s13], $0x2780  }
0x8e: {  	_ =	swait.ge [sflag:s14], $0x2780  }
0x8f: {  	[sflag:s14] =	ssyncset.done $0x0  }
0x90: {  	[sflag:s14] =	ssyncadd.s32 $0xFFFFD880  }
0x91: {  	_ =	sfence.sel $0x180000  }
0x92: {  	[bflag:$0x0] =	sbarrier.arrive $0xFFFF  }
0x93: {  	p0 =	sne.s32 s0, $0x0;
	_ =	strace $0x9000004A  }
0x94: {  	s0 =	sadd.s32 @!p0 $0x100000, s1;
	[bflag:$0x2] =	sbarrier.arrive $0xFFFF  }
0x95: {  	[sflag:s0] =	ssyncadd.tile.s32 @!p0 $0x1;
	_ =	shalt  }
.Lfunc_end2:
_tile_overlayer_lowered:
.L_overlay_start_2:
0x96: {  	(tag) =	ssettag $0x2  }
0x97: {  	s0 =	rddreg [dreg:$0x0];
	s2 =	stileid.u32  }
0x98: {  	s1 =	rddreg [dreg:$0x1];
	p0 =	sne.s32 s2, $0x0  }
0x99: {  	s3 =	rddreg [dreg:$0x2];
	[bflag:$0x3] =	sbarrier.arrive $0xFFFF;
	s2 =	simm.s32 @!p0 $0x1C03  }
0x9a: {  	[timem:s3], [sflag:s2] =	dma.local @!p0 [hbm:s0], s1  }
0x9b: {  	s0 =	simm.s32 @!p0 $0x3  }
0x9c: {  	_ =	swait.ge @!p0 [sflag:s0], s1  }
0x9d: {  	s1 =	ssub.s32 @!p0 $0x0, s1;
	[sflag:s0] =	ssyncset.done @!p0 $0x0  }
0x9e: {  	[sflag:s0] =	ssyncadd.s32 @!p0 s1  }
0x9f: {  	[bflag:$0x3] =	sbarrier.arrive $0xFFFF  }
0xa0: {  	_ =	shalt  }

// kernel: kernel.15.cloned.1.call-start
scs
__scs_entry_jumppad:
0x0: {  	(pc) =	sbr.rel $0x88, $3  }
0x1: {  	(tag) =	ssettag $0x0;
	lr =	simm.s32 $0x1  }
0x2: {  	[smem:$0x3F93] =	sst lr;
	_ =	strace $0xD0000000  }
0x3: {  	_ = 	snop  }
0x4: {  	_ = 	snop  }
0x5: {  	_ = 	snop  }
0x6: {  	_ = 	snop  }
0x7: {  	_ = 	snop  }
__scs_overlays_trampoline_lowered:
0x8: {  	[smem:$0x3FA2] =	sst s0  }
0x9: {  	[smem:$0x3FA3] =	sst s1  }
0xa: {  	[smem:$0x3FA4] =	sst s2  }
0xb: {  	[smem:$0x3FA5] =	sst s3  }
0xc: {  	[smem:$0x3FA6] =	sst s4  }
0xd: {  	[smem:$0x3FA7] =	sst s5  }
0xe: {  	[smem:$0x3FA8] =	sst s6  }
0xf: {  	[smem:$0x3FA9] =	sst s7  }
0x10: {  	[smem:$0x3FAA] =	sst s8  }
0x11: {  	[smem:$0x3FAB] =	sst s9;
	s0 =	simm.s32 @!p0 $0x0  }
0x12: {  	s1 =	sld [smem:$0x3F91];
	s0 =	simm.s32 @p0 $0x1  }
0x13: {  	[smem:$0x3FAC] =	sst s0;
	s0 =	simm.s32 @!p1 $0x0  }
0x14: {  	s2 =	sld [smem:$0x3F90];
	s0 =	simm.s32 @p1 $0x1  }
0x15: {  	[smem:$0x3FAD] =	sst s0;
	s0 =	simm.s32 @!p2 $0x0  }
0x16: {  	s3 =	sld [smem:$0x3FDB];
	s0 =	simm.s32 @p2 $0x1  }
0x17: {  	s4 =	simm.s32 $0x1BF5;
	[smem:$0x3FAF] =	sst s0  }
0x18: {  	s0 =	sld [smem:$0x3F92];
	_ =	swait.ge [sflag:s4], $0x0  }
0x19: {  	s7 =	sld [smem:$0x3F93]  }
0x1a: {  	s8 =	sadd.s32 $0xFFFFE003, lr  }
0x1b: {  	s9 =	sadd.s32 $0xFFFFFEF7, lr;
	s5 =	simm.s32 $0xFFFFFFFF;
	p2 =	slt.u32 s8, $0xFFFFF086  }
0x1c: {  	p1 =	slt.u32 s9, $0xF7A;
	s5 =	simm.s32 @!p2 $0x0  }
0x1d: {  	s5 =	simm.s32 @p1 $0x1;
	p0 =	seq.s32 s7, s2  }
0x1e: {  	s7 =	smul.u32 @!p0 $0xF7A, s2;
	p2 =	seq.s32 @!p0 s5, $0x0  }
0x1f: {  	s9 =	smul.u32 $0xF7A, s1;
	s8 =	simm.s32 @!p0 $0x1BF5;
	p2 =	por !p2, p0  }
0x20: {  	[sflag:s8] =	ssyncset.s32 @!p0 $0xFFFFF086;
	s6 =	sadd.s32 @!p0 s3, s7;
	s7 =	simm.s32 @!p0 $0x108  }
0x21: {  	s3 =	sadd.s32 s3, s9;
	s6 =	sadd.s32 @!p0 $0x88, s6;
	s7 =	simm.s32 @p2 $0x1082  }
0x22: {  	[simem:s7], [sflag:s8] =	dma.local @!p0 [hbm:s6], $0xF7A  }
0x23: {  	s9 =	sor.u32 $0xD0000000, s2;
	s6 =	simm.s32 $0x108;
	_ =	swait.ge @!p0 [sflag:s8], $0x0  }
0x24: {  	s3 =	sadd.s32 $0x88, s3;
	s6 =	simm.s32 @!p1 $0x1082;
	[sflag:s4] =	ssyncset.s32 $0xFFFFF086  }
0x25: {  	[simem:s6], [sflag:s4] =	dma.local [hbm:s3], $0xF7A  }
0x26: {  	[smem:$0x3F93] =	sst s1;
	(tag) =	ssettag s2;
	_ =	strace s9  }
0x27: {  	s1 =	sld [smem:$0x3FA3]  }
0x28: {  	s2 =	sld [smem:$0x3FA4]  }
0x29: {  	s4 =	sld [smem:$0x3FA6]  }
0x2a: {  	p0 =	seq.s32 s5, $0x0;
	s5 =	sld [smem:$0x3FA7]  }
0x2b: {  	s6 =	sld [smem:$0x3FA8]  }
0x2c: {  	s7 =	sld [smem:$0x3FA9]  }
0x2d: {  	s3 =	simm.s32 $0x108;
	s8 =	sld [smem:$0x3FAA]  }
0x2e: {  	s3 =	simm.s32 @!p0 $0x1082;
	s9 =	sld [smem:$0x3FAB]  }
0x2f: {  	lr =	sadd.s32 s0, s3;
	s0 =	sld [smem:$0x3FA2]  }
0x30: {  	s3 =	sld [smem:$0x3FA5]  }
0x31: {  	[smem:$0x3FAE] =	sst s10  }
0x32: {  	s10 =	sld [smem:$0x3FAC];
	_ =	sdelay $0x3  }
0x33: {  	p0 =	seq.s32 s10, $0x1;
	s10 =	sld [smem:$0x3FAE];
	_ =	sdelay $0x3  }
0x34: {  	[smem:$0x3FAE] =	sst s10  }
0x35: {  	s10 =	sld [smem:$0x3FAD];
	_ =	sdelay $0x3  }
0x36: {  	p1 =	seq.s32 s10, $0x1;
	s10 =	sld [smem:$0x3FAE];
	_ =	sdelay $0x3  }
0x37: {  	[smem:$0x3FAE] =	sst s10  }
0x38: {  	s10 =	sld [smem:$0x3FAF]  }
0x39: {  	_ = 	snop;
	(pc) =	sbr.ind lr, $3  }
0x3a: {  	_ = 	snop  }
0x3b: {  	_ = 	snop  }
0x3c: {  	p2 =	seq.s32 s10, $0x1;
	s10 =	sld [smem:$0x3FAE]  }
0x3d: {  	_ =	shalt  }
0x3e: {  	_ =	shalt  }
0x3f: {  	_ =	shalt  }
0x40: {  	_ =	shalt  }
0x41: {  	_ =	shalt  }
0x42: {  	_ =	shalt  }
0x43: {  	_ =	shalt  }
0x44: {  	_ =	shalt  }
0x45: {  	_ =	shalt  }
0x46: {  	_ =	shalt  }
0x47: {  	_ =	shalt  }
0x48: {  	_ =	shalt  }
0x49: {  	_ =	shalt  }
0x4a: {  	_ =	shalt  }
0x4b: {  	_ =	shalt  }
0x4c: {  	_ =	shalt  }
0x4d: {  	_ =	shalt  }
0x4e: {  	_ =	shalt  }
0x4f: {  	_ =	shalt  }
0x50: {  	_ =	shalt  }
0x51: {  	_ =	shalt  }
0x52: {  	_ =	shalt  }
0x53: {  	_ =	shalt  }
0x54: {  	_ =	shalt  }
0x55: {  	_ =	shalt  }
0x56: {  	_ =	shalt  }
0x57: {  	_ =	shalt  }
0x58: {  	_ =	shalt  }
0x59: {  	_ =	shalt  }
0x5a: {  	_ =	shalt  }
0x5b: {  	_ =	shalt  }
0x5c: {  	_ =	shalt  }
0x5d: {  	_ =	shalt  }
0x5e: {  	_ =	shalt  }
0x5f: {  	_ =	shalt  }
0x60: {  	_ =	shalt  }
0x61: {  	_ =	shalt  }
0x62: {  	_ =	shalt  }
0x63: {  	_ =	shalt  }
0x64: {  	_ =	shalt  }
0x65: {  	_ =	shalt  }
0x66: {  	_ =	shalt  }
0x67: {  	_ =	shalt  }
0x68: {  	_ =	shalt  }
0x69: {  	_ =	shalt  }
0x6a: {  	_ =	shalt  }
0x6b: {  	_ =	shalt  }
0x6c: {  	_ =	shalt  }
0x6d: {  	_ =	shalt  }
0x6e: {  	_ =	shalt  }
0x6f: {  	_ =	shalt  }
0x70: {  	_ =	shalt  }
0x71: {  	_ =	shalt  }
0x72: {  	_ =	shalt  }
0x73: {  	_ =	shalt  }
0x74: {  	_ =	shalt  }
0x75: {  	_ =	shalt  }
0x76: {  	_ =	shalt  }
0x77: {  	_ =	shalt  }
0x78: {  	_ =	shalt  }
0x79: {  	_ =	shalt  }
0x7a: {  	_ =	shalt  }
0x7b: {  	_ =	shalt  }
0x7c: {  	_ =	shalt  }
0x7d: {  	_ =	shalt  }
0x7e: {  	_ =	shalt  }
0x7f: {  	_ =	shalt  }
0x80: {  	_ =	shalt  }
0x81: {  	_ =	shalt  }
0x82: {  	_ =	shalt  }
0x83: {  	_ =	shalt  }
0x84: {  	_ =	shalt  }
0x85: {  	_ =	shalt  }
0x86: {  	_ =	shalt  }
0x87: {  	_ =	shalt  }
.Lfunc_end0:
.L_simem_size_0:
called_computation.2_lowered:
.L_overlay_start_0:
0x88: {  	s2 =	sld [smem:$0x3FD9]  }
0x89: {  	s3 =	sld [smem:$0x3FFE];
	_ =	sdelay $0x1  }
0x8a: {  	s1 =	srdreg.scid  }
0x8b: {  	s0 =	sand.u32 $0x1, s1  }
0x8c: {  	s16 =	sshll.u32 s0, $0xA;
	s2 =	sadd.s32 s3, s2  }
0x8d: {  	s2 =	sadd.s32 s2, s16  }
0x8e: {  	[smem:$0x3FBA] =	sst s2  }
0x8f: {  	_ = 	snop  }
0x90: {  	(tm) =	ssettm $0x1  }
0x91: {  	s17 =	sld [smem:$0x3FFB];
	_ =	sdelay $0x3  }
0x92: {  	_ =	strace s17  }
0x93: {  	s2 =	sld [smem:$0x3FFC];
	_ =	sdelay $0x3  }
0x94: {  	_ =	strace s2  }
0x95: {  	s2 =	sld [smem:$0x3FFD];
	_ =	sdelay $0x3  }
0x96: {  	_ =	strace s2  }
0x97: {  	_ =	strace $0x8FFFFFFF  }
0x98: {  	s18 =	sld [smem:$0x3FDB];
	_ =	sdelay $0x1  }
0x99: {  	s19 =	simm.s32 $_scs_section_size  }
0x9a: {  	s4 =	simm.s32 $_size__tile_overlayer_lowered;
	s5 =	simm.s32 $_tile_overlayer_lowered  }
0x9b: {  	s22 =	simm.s32 $0x1BFF;
	s21 =	sshll.u32 s5, $0x1;
	s2 =	sadd.s32 s19, s18  }
0x9c: {  	s6 =	simm.s32 $0x0;
	s20 =	sshll.u32 s4, $0x1;
	s4 =	sadd.s32 s21, s2  }
0x9d: {  	[timem:s6], [sflag:s22] =	dma.local [hbm:s4], s20  }
0x9e: {  	_ =	swait.ge [sflag:s22], s20  }
0x9f: {  	s3 =	ssub.s32 $0x0, s20;
	[sflag:s22] =	ssyncset.done $0x0  }
0xa0: {  	[sflag:s22] =	ssyncadd.s32 s3;
	_ =	sdelay $0x1  }
0xa1: {  	s23 =	simm.s32 $0x1B8B  }
0xa2: {  	_ =	swait.ge [sflag:s23], $0x1  }
0xa3: {  	[sflag:s23] =	ssyncset.done $0x0  }
0xa4: {  	s25 =	simm.s32 $0x1B8E;
	s24 =	sld [smem:$0x3FFE];
	[sflag:s23] =	ssyncadd.s32 $0xFFFFFFFF  }
0xa5: {  	s26 =	simm.s32 $execute0_lowered;
	[smem:$0x3FD2] =	sst s25  }
0xa6: {  	s4 =	sshll.u32 s26, $0x1;
	_ =	strace $0x8000004C;
	[dreg:$0x1] =	wrdreg $0xFFFFFFFF  }
0xa7: {  	s28 =	simm.s32 $_size_execute0_lowered;
	s2 =	sadd.s32 s2, s4;
	[dreg:$0x0] =	wrdreg $0x0  }
0xa8: {  	s4 =	sshll.u32 s28, $0x1;
	[dreg:$0x2] =	wrdreg s2  }
0xa9: {  	[dreg:$0x3] =	wrdreg s4  }
0xaa: {  	[dreg:$0x4] =	wrdreg $0xC0  }
0xab: {  	_ =	task [dreg:s6], $0x5FFFF  }
0xac: {  	[dreg:$0x1] =	wrdreg $0xFFFFFFFF  }
0xad: {  	[dreg:$0x0] =	wrdreg $0x60  }
0xae: {  	[dreg:$0x2] =	wrdreg s24  }
0xaf: {  	[dreg:$0x3] =	wrdreg $0xA8000  }
0xb0: {  	[dreg:$0x4] =	wrdreg $0x9  }
0xb1: {  	_ =	task.clear_ibuf [dreg:s6], $0x5FFFF;
	_ =	strace $0x9000004C  }
0xb2: {  	s29 =	simm.s32 $0x9;
	_ =	strace $0x8000004E  }
0xb3: {  	_ =	swait.ge [sflag:s29], $0x1  }
0xb4: {  	[sflag:s29] =	ssyncadd.s32 $0xFFFFFFFF  }
0xb5: {  	_ =	strace $0x9000004E  }
0xb6: {  	_ =	sfence  }
0xb7: {  	s30 =	sld [smem:$0x0];
	_ =	sdelay $0x2  }
0xb8: {  	s31 =	sshll.u32 s1, $0xD;
	s1 =	sshrl.u32 s1, $0x2  }
0xb9: {  	s3 =	sand.u32 $0x4000, s31;
	s1 =	sadd.s32 s1, s30  }
0xba: {  	s0 =	sor.u32 s3, s0;
	s1 =	sshll.u32 s1, $0x11  }
0xbb: {  	s0 =	sor.u32 s1, s0  }
0xbc: {  	s0 =	sadd.s32 $0x8F2B, s0  }
0xbd: {  	[sflag:s0] =	ssyncadd.remote.s32 $0x1  }
0xbe: {  	_ =	sfence.sel $0xFFFF  }
0xbf: {  	[dreg:$0x0] =	wrdreg $0xFFFFFFFF;
	(pc) =	sbr.abs _section_cstart, $3  }
0xc0: {  	[dreg:$0x1] =	wrdreg $0xFFFFFFFF  }
0xc1: {  	_ =	task.clear_ibuf [dreg:s6], $0x2FFFF;
	_ =	strace $0x9FFFFFFF  }
0xc2: {  	(tm) =	ssettm $0x7FFFFFFF  }
0xc3: {  	_ =	shalt  }
tec
execute0_lowered:
.L_overlay_start_1:
0x0: {  	(tag) =	ssettag $0x1  }
0x1: {  	s6 =	rddreg [dreg:$0x0]  }
0x2: {  	s0 =	srdreg.scid;
	s2 =	rddreg [dreg:$0x1]  }
0x3: {  	s3 =	simm.s32 $0x0;
	s14 =	simm.s32 $0x3;
	s15 =	simm.s32 $0x1400  }
0x4: {  	s16 =	simm.s32 $0x80;
	s17 =	simm.s32 $0x2800;
	s18 =	simm.s32 $0x6800  }
0x5: {  	s19 =	simm.s32 $0x1;
	s5 =	sand.u32 $0x1, s0;
	s0 =	stileid.u32  }
0x6: {  	s20 =	simm.s32 $0x2;
	s21 =	simm.s32 $0x2700;
	s8 =	smul.u32 $0x2800, s0  }
0x7: {  	s22 =	simm.s32 $0x2780;
	s23 =	simm.s32 $0x0;
	s9 =	smul.u32 $0x13C00, s0  }
0x8: {  	[smem:$0x7FF] =	sst s3;
	s1 =	sshll.u32 s5, $0x4;
	s10 =	smul.u32 $0x13C000, s5  }
0x9: {  	s5 =	ssub.s32 $0x2, s5;
	s28 =	smul.u32 $0x4F000, s0;
	s31 =	sshll.u32 s0, $0x6  }
0xa: {  	s4 =	sor.u32 s0, s1;
	s1 =	rddreg [dreg:$0x2];
	_ =	strace $0x8000004D  }
0xb: {  	s29 =	sshrl.u32 s5, $0x1;
	s7 =	smul.u32 $0x2800, s4;
	s4 =	sadd.s32 $0x89600, s6  }
0xc: {  	s8 =	sshrl.u32 s8, $0x3;
	s25 =	sshrl.u32 s9, $0x3;
	s26 =	sadd.s32 s9, s10  }
0xd: {  	s10 =	ssub.s32 s5, s29;
	s30 =	sshrl.u32 s28, $0x2;
	s12 =	sadd.s32 s8, s6  }
0xe: {  	s8 =	sshrl.u32 s26, $0x3;
	s13 =	sadd.s32 s30, s2;
	s7 =	sshrl.u32 s7, $0x3  }
0xf: {  	s8 =	sadd.s32 s8, s6;
	s11 =	sadd.s32 s7, s6;
	s7 =	sadd.s32 s25, s6  }
0x10: {  	s13 =	sshrl.u32 s13, $0x3;
	s6 =	sor.u32 $0x1C03, s31;
	s5 =	sadd.s32 $0x8600, s7  }
0x11: {  	s7 =	sadd.s32 $0xD7800, s8;
	s8 =	smax.u32 s10, $0x1;
	s9 =	sadd.s32 $0x7F600, s11  }
0x12: {  	s10 =	sadd.s32 $0x3600, s12;
	s11 =	sadd.s32 $0x7F880, s11;
	s12 =	sadd.s32 $0x3880, s12  }
.LBB2_1:
0x13: {  	[spmem:s13], [sflag:s6] =	dma.local [hbm:s5], $0x2780  }
0x14: {  	_ =	swait.ge [sflag:s14], $0x2780  }
0x15: {  	[sflag:s14] =	ssyncset.done $0x0  }
0x16: {  	[sflag:s14] =	ssyncadd.s32 $0xFFFFD880  }
0x17: {  	[bflag:$0x0] =	sbarrier.arrive $0xFFFF  }
0x18: {  	[tilespmem:s3], [sflag:$0x3] =	stream.linear.gather [hbm4b:s9+s3], $0x1400, $0x38;
	[tilespmem:$0x1E400] =	vst v63  }
0x19: {  	_ =	swait.ge [sflag:s14], $0x1400  }
0x1a: {  	[sflag:s14] =	ssyncset.done $0x0  }
0x1b: {  	[sflag:s14] =	ssyncadd.s32 $0xFFFFEC00  }
0x1c: {  	[tilespmem:s15], [sflag:$0x3] =	stream.linear.gather [hbm4b:s10+s3], $0x1400, $0x38;
	[tilespmem:$0x1E400] =	vst v63  }
0x1d: {  	_ =	swait.ge [sflag:s14], $0x1400  }
0x1e: {  	[sflag:s14] =	ssyncset.done $0x0  }
0x1f: {  	[sflag:s14] =	ssyncadd.s32 $0xFFFFEC00  }
0x20: {  	[tilespmem:s17], [sflag:$0x1] =	stream.indirect.gather [hbm4b:s4+s16], $0x80, s3, s16, $0xb8;
	[tilespmem:$0x1E400] =	vst v63  }
0x21: {  	_ = 	snop  }
0x22: {  	[tilespmem:s18], [sflag:$0x2] =	stream.indirect.gather [hbm4b:s4+s16], $0x80, s16, s16, $0xb8;
	[tilespmem:$0x1E400] =	vst v63  }
0x23: {  	_ =	swait.ge [sflag:s19], $0x4000  }
0x24: {  	[sflag:s19] =	ssyncset.done $0x0  }
0x25: {  	s24 =	simm.s32 $0x1400;
	[sflag:s19] =	ssyncadd.s32 $0xFFFFC000  }
0x26: {  	[spmem:s2] =	stream.indirect.scatter.add.f32 [tilespmem:s17], [sflag:$0x3], $0x80, s24, s16, $0xb8;
	[tilespmem:$0x1E400] =	vst v63  }
0x27: {  	_ =	swait.ge [sflag:s14], $0x4000  }
0x28: {  	[sflag:s14] =	ssyncset.done $0x0  }
0x29: {  	s30 =	simm.s32 $0x100;
	[sflag:s14] =	ssyncadd.s32 $0xFFFFC000  }
0x2a: {  	[tilespmem:s17], [sflag:$0x1] =	stream.indirect.gather [hbm4b:s4+s16], $0x80, s30, s16, $0xb8;
	[tilespmem:$0x1E400] =	vst v63  }
0x2b: {  	_ =	swait.ge [sflag:s20], $0x4000  }
0x2c: {  	[sflag:s20] =	ssyncset.done $0x0  }
0x2d: {  	s31 =	simm.s32 $0x1480;
	[sflag:s20] =	ssyncadd.s32 $0xFFFFC000  }
0x2e: {  	[spmem:s2] =	stream.indirect.scatter.add.f32 [tilespmem:s18], [sflag:$0x3], $0x80, s31, s16, $0xb8;
	[tilespmem:$0x1E400] =	vst v63  }
0x2f: {  	_ =	swait.ge [sflag:s14], $0x4000  }
0x30: {  	[sflag:s14] =	ssyncset.done $0x0  }
0x31: {  	s25 =	simm.s32 $0x180;
	s24 =	simm.s32 $0x400;
	[sflag:s14] =	ssyncadd.s32 $0xFFFFC000  }
.LBB2_2:
0x32: {  	[tilespmem:s18], [sflag:$0x2] =	stream.indirect.gather [hbm4b:s4+s16], $0x80, s25, s16, $0xb8;
	[tilespmem:$0x1E400] =	vst v63  }
0x33: {  	s25 =	smov.u32 s24  }
0x34: {  	p0 =	sne.s32 s24, $0x4800;
	s24 =	sadd.s32 $0x400, s24;
	_ =	swait.ge [sflag:s19], $0x4000  }
0x35: {  	s25 =	sshra.s32 s25, $0x2;
	[sflag:s19] =	ssyncset.done $0x0  }
0x36: {  	s26 =	sadd.s32 $0x1400, s25;
	[sflag:s19] =	ssyncadd.s32 $0xFFFFC000  }
0x37: {  	[spmem:s2] =	stream.indirect.scatter.add.f32 [tilespmem:s17], [sflag:$0x3], $0x80, s26, s16, $0xb8;
	[tilespmem:$0x1E400] =	vst v63  }
0x38: {  	_ =	swait.ge [sflag:s14], $0x4000  }
0x39: {  	[sflag:s14] =	ssyncset.done $0x0  }
0x3a: {  	s26 =	sadd.s32 $0x100, s25;
	[sflag:s14] =	ssyncadd.s32 $0xFFFFC000  }
0x3b: {  	[tilespmem:s17], [sflag:$0x1] =	stream.indirect.gather [hbm4b:s4+s16], $0x80, s26, s16, $0xb8;
	[tilespmem:$0x1E400] =	vst v63  }
0x3c: {  	_ =	swait.ge [sflag:s20], $0x4000  }
0x3d: {  	[sflag:s20] =	ssyncset.done $0x0  }
.Ltmp0:
0x3e: {  	s26 =	sadd.s32 $0x1480, s25;
	[sflag:s20] =	ssyncadd.s32 $0xFFFFC000;
	(pc) =	sbr.rel @p0 .LBB2_2-.Ltmp0, $4  }
0x3f: {  	[spmem:s2] =	stream.indirect.scatter.add.f32 [tilespmem:s18], [sflag:$0x3], $0x80, s26, s16, $0xb8;
	[tilespmem:$0x1E400] =	vst v63  }
0x40: {  	_ =	swait.ge [sflag:s14], $0x4000  }
0x41: {  	[sflag:s14] =	ssyncset.done $0x0  }
0x42: {  	s25 =	sadd.s32 $0x180, s25;
	[sflag:s14] =	ssyncadd.s32 $0xFFFFC000  }
0x43: {  	[tilespmem:s18], [sflag:$0x2] =	stream.indirect.gather [hbm4b:s4+s16], $0x80, s25, s16, $0xb8;
	[tilespmem:$0x1E400] =	vst v63  }
0x44: {  	_ =	swait.ge [sflag:s19], $0x4000  }
0x45: {  	[sflag:s19] =	ssyncset.done $0x0  }
0x46: {  	[sflag:s19] =	ssyncadd.s32 $0xFFFFC000  }
0x47: {  	[spmem:s2] =	stream.indirect.scatter.add.f32 [tilespmem:s17], [sflag:$0x3], $0x80, s21, s16, $0xb8;
	[tilespmem:$0x1E400] =	vst v63  }
0x48: {  	_ =	swait.ge [sflag:s14], $0x4000  }
0x49: {  	[sflag:s14] =	ssyncset.done $0x0  }
0x4a: {  	[sflag:s14] =	ssyncadd.s32 $0xFFFFC000  }
0x4b: {  	_ =	swait.ge [sflag:s20], $0x4000  }
0x4c: {  	[sflag:s20] =	ssyncset.done $0x0  }
0x4d: {  	[sflag:s20] =	ssyncadd.s32 $0xFFFFC000  }
0x4e: {  	[spmem:s2] =	stream.indirect.scatter.add.f32 [tilespmem:s18], [sflag:$0x3], $0x80, s22, s16, $0xb8;
	[tilespmem:$0x1E400] =	vst v63  }
0x4f: {  	_ =	swait.ge [sflag:s14], $0x4000  }
0x50: {  	[sflag:s14] =	ssyncset.done $0x0  }
0x51: {  	s24 =	simm.s32 $0x0;
	[sflag:s14] =	ssyncadd.s32 $0xFFFFC000  }
0x52: {  	[tilespmem:s24], [sflag:$0x3] =	stream.linear.gather [hbm4b:s11+s24], $0x1400, $0x38;
	[tilespmem:$0x1E400] =	vst v63  }
0x53: {  	_ =	swait.ge [sflag:s14], $0x1400  }
0x54: {  	[sflag:s14] =	ssyncset.done $0x0  }
0x55: {  	[sflag:s14] =	ssyncadd.s32 $0xFFFFEC00  }
0x56: {  	[tilespmem:s15], [sflag:$0x3] =	stream.linear.gather [hbm4b:s12+s24], $0x1400, $0x38;
	[tilespmem:$0x1E400] =	vst v63  }
0x57: {  	_ =	swait.ge [sflag:s14], $0x1400  }
0x58: {  	[sflag:s14] =	ssyncset.done $0x0  }
0x59: {  	[sflag:s14] =	ssyncadd.s32 $0xFFFFEC00  }
0x5a: {  	[tilespmem:s17], [sflag:$0x1] =	stream.indirect.gather [hbm4b:s4+s16], $0x80, s24, s16, $0xb8;
	[tilespmem:$0x1E400] =	vst v63  }
0x5b: {  	_ = 	snop  }
0x5c: {  	[tilespmem:s18], [sflag:$0x2] =	stream.indirect.gather [hbm4b:s4+s16], $0x80, s16, s16, $0xb8;
	[tilespmem:$0x1E400] =	vst v63  }
0x5d: {  	_ =	swait.ge [sflag:s19], $0x4000  }
0x5e: {  	[sflag:s19] =	ssyncset.done $0x0  }
0x5f: {  	s29 =	simm.s32 $0x1400;
	[sflag:s19] =	ssyncadd.s32 $0xFFFFC000  }
0x60: {  	[spmem:s2] =	stream.indirect.scatter.add.f32 [tilespmem:s17], [sflag:$0x3], $0x80, s29, s16, $0xb8;
	[tilespmem:$0x1E400] =	vst v63  }
0x61: {  	_ =	swait.ge [sflag:s14], $0x4000  }
0x62: {  	[sflag:s14] =	ssyncset.done $0x0  }
0x63: {  	s30 =	simm.s32 $0x100;
	[sflag:s14] =	ssyncadd.s32 $0xFFFFC000  }
0x64: {  	[tilespmem:s17], [sflag:$0x1] =	stream.indirect.gather [hbm4b:s4+s16], $0x80, s30, s16, $0xb8;
	[tilespmem:$0x1E400] =	vst v63  }
0x65: {  	_ =	swait.ge [sflag:s20], $0x4000  }
0x66: {  	[sflag:s20] =	ssyncset.done $0x0  }
0x67: {  	s31 =	simm.s32 $0x1480;
	[sflag:s20] =	ssyncadd.s32 $0xFFFFC000  }
0x68: {  	[spmem:s2] =	stream.indirect.scatter.add.f32 [tilespmem:s18], [sflag:$0x3], $0x80, s31, s16, $0xb8;
	[tilespmem:$0x1E400] =	vst v63  }
0x69: {  	_ =	swait.ge [sflag:s14], $0x4000  }
0x6a: {  	[sflag:s14] =	ssyncset.done $0x0  }
0x6b: {  	s25 =	simm.s32 $0x180;
	s24 =	simm.s32 $0x400;
	[sflag:s14] =	ssyncadd.s32 $0xFFFFC000  }
.LBB2_4:
0x6c: {  	[tilespmem:s18], [sflag:$0x2] =	stream.indirect.gather [hbm4b:s4+s16], $0x80, s25, s16, $0xb8;
	[tilespmem:$0x1E400] =	vst v63  }
0x6d: {  	s25 =	smov.u32 s24  }
0x6e: {  	p0 =	sne.s32 s24, $0x4800;
	s24 =	sadd.s32 $0x400, s24;
	_ =	swait.ge [sflag:s19], $0x4000  }
0x6f: {  	s25 =	sshra.s32 s25, $0x2;
	[sflag:s19] =	ssyncset.done $0x0  }
0x70: {  	s26 =	sadd.s32 $0x1400, s25;
	[sflag:s19] =	ssyncadd.s32 $0xFFFFC000  }
0x71: {  	[spmem:s2] =	stream.indirect.scatter.add.f32 [tilespmem:s17], [sflag:$0x3], $0x80, s26, s16, $0xb8;
	[tilespmem:$0x1E400] =	vst v63  }
0x72: {  	_ =	swait.ge [sflag:s14], $0x4000  }
0x73: {  	[sflag:s14] =	ssyncset.done $0x0  }
0x74: {  	s26 =	sadd.s32 $0x100, s25;
	[sflag:s14] =	ssyncadd.s32 $0xFFFFC000  }
0x75: {  	[tilespmem:s17], [sflag:$0x1] =	stream.indirect.gather [hbm4b:s4+s16], $0x80, s26, s16, $0xb8;
	[tilespmem:$0x1E400] =	vst v63  }
0x76: {  	_ =	swait.ge [sflag:s20], $0x4000  }
0x77: {  	[sflag:s20] =	ssyncset.done $0x0  }
.Ltmp1:
0x78: {  	s26 =	sadd.s32 $0x1480, s25;
	[sflag:s20] =	ssyncadd.s32 $0xFFFFC000;
	(pc) =	sbr.rel @p0 .LBB2_4-.Ltmp1, $4  }
0x79: {  	[spmem:s2] =	stream.indirect.scatter.add.f32 [tilespmem:s18], [sflag:$0x3], $0x80, s26, s16, $0xb8;
	[tilespmem:$0x1E400] =	vst v63  }
0x7a: {  	_ =	swait.ge [sflag:s14], $0x4000  }
0x7b: {  	[sflag:s14] =	ssyncset.done $0x0  }
0x7c: {  	s25 =	sadd.s32 $0x180, s25;
	[sflag:s14] =	ssyncadd.s32 $0xFFFFC000  }
0x7d: {  	[tilespmem:s18], [sflag:$0x2] =	stream.indirect.gather [hbm4b:s4+s16], $0x80, s25, s16, $0xb8;
	[tilespmem:$0x1E400] =	vst v63  }
0x7e: {  	_ =	swait.ge [sflag:s19], $0x4000  }
0x7f: {  	[sflag:s19] =	ssyncset.done $0x0  }
0x80: {  	[sflag:s19] =	ssyncadd.s32 $0xFFFFC000  }
0x81: {  	[spmem:s2] =	stream.indirect.scatter.add.f32 [tilespmem:s17], [sflag:$0x3], $0x80, s21, s16, $0xb8;
	[tilespmem:$0x1E400] =	vst v63  }
0x82: {  	_ =	swait.ge [sflag:s14], $0x4000  }
0x83: {  	[sflag:s14] =	ssyncset.done $0x0  }
0x84: {  	[sflag:s14] =	ssyncadd.s32 $0xFFFFC000  }
0x85: {  	_ =	swait.ge [sflag:s20], $0x4000  }
0x86: {  	[sflag:s20] =	ssyncset.done $0x0  }
0x87: {  	[sflag:s20] =	ssyncadd.s32 $0xFFFFC000  }
0x88: {  	[spmem:s2] =	stream.indirect.scatter.add.f32 [tilespmem:s18], [sflag:$0x3], $0x80, s22, s16, $0xb8;
	[tilespmem:$0x1E400] =	vst v63  }
0x89: {  	_ =	swait.ge [sflag:s14], $0x4000  }
0x8a: {  	s23 =	sadd.s32 $0x1, s23;
	[sflag:s14] =	ssyncset.done $0x0  }
0x8b: {  	p0 =	sne.s32 s23, s8;
	[sflag:s14] =	ssyncadd.s32 $0xFFFFC000  }
.Ltmp2:
0x8c: {  	[bflag:$0x0] =	sbarrier.arrive $0xFFFF;
	(pc) =	sbr.rel @p0 .LBB2_1-.Ltmp2, $4  }
0x8d: {  	[hbm:s7], [sflag:s6] =	dma.local [spmem:s13], $0x2780  }
0x8e: {  	_ =	swait.ge [sflag:s14], $0x2780  }
0x8f: {  	[sflag:s14] =	ssyncset.done $0x0  }
0x90: {  	[sflag:s14] =	ssyncadd.s32 $0xFFFFD880  }
0x91: {  	_ =	sfence.sel $0x180000  }
0x92: {  	[bflag:$0x0] =	sbarrier.arrive $0xFFFF  }
0x93: {  	p0 =	sne.s32 s0, $0x0;
	_ =	strace $0x9000004D  }
0x94: {  	s0 =	sadd.s32 @!p0 $0x100000, s1;
	[bflag:$0x2] =	sbarrier.arrive $0xFFFF  }
0x95: {  	[sflag:s0] =	ssyncadd.tile.s32 @!p0 $0x1;
	_ =	shalt  }
.Lfunc_end2:
_tile_overlayer_lowered:
.L_overlay_start_2:
0x96: {  	(tag) =	ssettag $0x2  }
0x97: {  	s0 =	rddreg [dreg:$0x0];
	s2 =	stileid.u32  }
0x98: {  	s1 =	rddreg [dreg:$0x1];
	p0 =	sne.s32 s2, $0x0  }
0x99: {  	s3 =	rddreg [dreg:$0x2];
	[bflag:$0x3] =	sbarrier.arrive $0xFFFF;
	s2 =	simm.s32 @!p0 $0x1C03  }
0x9a: {  	[timem:s3], [sflag:s2] =	dma.local @!p0 [hbm:s0], s1  }
0x9b: {  	s0 =	simm.s32 @!p0 $0x3  }
0x9c: {  	_ =	swait.ge @!p0 [sflag:s0], s1  }
0x9d: {  	s1 =	ssub.s32 @!p0 $0x0, s1;
	[sflag:s0] =	ssyncset.done @!p0 $0x0  }
0x9e: {  	[sflag:s0] =	ssyncadd.s32 @!p0 s1  }
0x9f: {  	[bflag:$0x3] =	sbarrier.arrive $0xFFFF  }
0xa0: {  	_ =	shalt  }

// kernel: kernel.9.cloned.1.call-start
scs
__scs_entry_jumppad:
0x0: {  	(pc) =	sbr.rel $0x88, $3  }
0x1: {  	(tag) =	ssettag $0x0;
	lr =	simm.s32 $0x1  }
0x2: {  	[smem:$0x3F93] =	sst lr;
	_ =	strace $0xD0000000  }
0x3: {  	_ = 	snop  }
0x4: {  	_ = 	snop  }
0x5: {  	_ = 	snop  }
0x6: {  	_ = 	snop  }
0x7: {  	_ = 	snop  }
__scs_overlays_trampoline_lowered:
0x8: {  	[smem:$0x3FA2] =	sst s0  }
0x9: {  	[smem:$0x3FA3] =	sst s1  }
0xa: {  	[smem:$0x3FA4] =	sst s2  }
0xb: {  	[smem:$0x3FA5] =	sst s3  }
0xc: {  	[smem:$0x3FA6] =	sst s4  }
0xd: {  	[smem:$0x3FA7] =	sst s5  }
0xe: {  	[smem:$0x3FA8] =	sst s6  }
0xf: {  	[smem:$0x3FA9] =	sst s7  }
0x10: {  	[smem:$0x3FAA] =	sst s8  }
0x11: {  	[smem:$0x3FAB] =	sst s9;
	s0 =	simm.s32 @!p0 $0x0  }
0x12: {  	s1 =	sld [smem:$0x3F91];
	s0 =	simm.s32 @p0 $0x1  }
0x13: {  	[smem:$0x3FAC] =	sst s0;
	s0 =	simm.s32 @!p1 $0x0  }
0x14: {  	s2 =	sld [smem:$0x3F90];
	s0 =	simm.s32 @p1 $0x1  }
0x15: {  	[smem:$0x3FAD] =	sst s0;
	s0 =	simm.s32 @!p2 $0x0  }
0x16: {  	s3 =	sld [smem:$0x3FDB];
	s0 =	simm.s32 @p2 $0x1  }
0x17: {  	s4 =	simm.s32 $0x1BF5;
	[smem:$0x3FAF] =	sst s0  }
0x18: {  	s0 =	sld [smem:$0x3F92];
	_ =	swait.ge [sflag:s4], $0x0  }
0x19: {  	s7 =	sld [smem:$0x3F93]  }
0x1a: {  	s8 =	sadd.s32 $0xFFFFE003, lr  }
0x1b: {  	s9 =	sadd.s32 $0xFFFFFEF7, lr;
	s5 =	simm.s32 $0xFFFFFFFF;
	p2 =	slt.u32 s8, $0xFFFFF086  }
0x1c: {  	p1 =	slt.u32 s9, $0xF7A;
	s5 =	simm.s32 @!p2 $0x0  }
0x1d: {  	s5 =	simm.s32 @p1 $0x1;
	p0 =	seq.s32 s7, s2  }
0x1e: {  	s7 =	smul.u32 @!p0 $0xF7A, s2;
	p2 =	seq.s32 @!p0 s5, $0x0  }
0x1f: {  	s9 =	smul.u32 $0xF7A, s1;
	s8 =	simm.s32 @!p0 $0x1BF5;
	p2 =	por !p2, p0  }
0x20: {  	[sflag:s8] =	ssyncset.s32 @!p0 $0xFFFFF086;
	s6 =	sadd.s32 @!p0 s3, s7;
	s7 =	simm.s32 @!p0 $0x108  }
0x21: {  	s3 =	sadd.s32 s3, s9;
	s6 =	sadd.s32 @!p0 $0x88, s6;
	s7 =	simm.s32 @p2 $0x1082  }
0x22: {  	[simem:s7], [sflag:s8] =	dma.local @!p0 [hbm:s6], $0xF7A  }
0x23: {  	s9 =	sor.u32 $0xD0000000, s2;
	s6 =	simm.s32 $0x108;
	_ =	swait.ge @!p0 [sflag:s8], $0x0  }
0x24: {  	s3 =	sadd.s32 $0x88, s3;
	s6 =	simm.s32 @!p1 $0x1082;
	[sflag:s4] =	ssyncset.s32 $0xFFFFF086  }
0x25: {  	[simem:s6], [sflag:s4] =	dma.local [hbm:s3], $0xF7A  }
0x26: {  	[smem:$0x3F93] =	sst s1;
	(tag) =	ssettag s2;
	_ =	strace s9  }
0x27: {  	s1 =	sld [smem:$0x3FA3]  }
0x28: {  	s2 =	sld [smem:$0x3FA4]  }
0x29: {  	s4 =	sld [smem:$0x3FA6]  }
0x2a: {  	p0 =	seq.s32 s5, $0x0;
	s5 =	sld [smem:$0x3FA7]  }
0x2b: {  	s6 =	sld [smem:$0x3FA8]  }
0x2c: {  	s7 =	sld [smem:$0x3FA9]  }
0x2d: {  	s3 =	simm.s32 $0x108;
	s8 =	sld [smem:$0x3FAA]  }
0x2e: {  	s3 =	simm.s32 @!p0 $0x1082;
	s9 =	sld [smem:$0x3FAB]  }
0x2f: {  	lr =	sadd.s32 s0, s3;
	s0 =	sld [smem:$0x3FA2]  }
0x30: {  	s3 =	sld [smem:$0x3FA5]  }
0x31: {  	[smem:$0x3FAE] =	sst s10  }
0x32: {  	s10 =	sld [smem:$0x3FAC];
	_ =	sdelay $0x3  }
0x33: {  	p0 =	seq.s32 s10, $0x1;
	s10 =	sld [smem:$0x3FAE];
	_ =	sdelay $0x3  }
0x34: {  	[smem:$0x3FAE] =	sst s10  }
0x35: {  	s10 =	sld [smem:$0x3FAD];
	_ =	sdelay $0x3  }
0x36: {  	p1 =	seq.s32 s10, $0x1;
	s10 =	sld [smem:$0x3FAE];
	_ =	sdelay $0x3  }
0x37: {  	[smem:$0x3FAE] =	sst s10  }
0x38: {  	s10 =	sld [smem:$0x3FAF]  }
0x39: {  	_ = 	snop;
	(pc) =	sbr.ind lr, $3  }
0x3a: {  	_ = 	snop  }
0x3b: {  	_ = 	snop  }
0x3c: {  	p2 =	seq.s32 s10, $0x1;
	s10 =	sld [smem:$0x3FAE]  }
0x3d: {  	_ =	shalt  }
0x3e: {  	_ =	shalt  }
0x3f: {  	_ =	shalt  }
0x40: {  	_ =	shalt  }
0x41: {  	_ =	shalt  }
0x42: {  	_ =	shalt  }
0x43: {  	_ =	shalt  }
0x44: {  	_ =	shalt  }
0x45: {  	_ =	shalt  }
0x46: {  	_ =	shalt  }
0x47: {  	_ =	shalt  }
0x48: {  	_ =	shalt  }
0x49: {  	_ =	shalt  }
0x4a: {  	_ =	shalt  }
0x4b: {  	_ =	shalt  }
0x4c: {  	_ =	shalt  }
0x4d: {  	_ =	shalt  }
0x4e: {  	_ =	shalt  }
0x4f: {  	_ =	shalt  }
0x50: {  	_ =	shalt  }
0x51: {  	_ =	shalt  }
0x52: {  	_ =	shalt  }
0x53: {  	_ =	shalt  }
0x54: {  	_ =	shalt  }
0x55: {  	_ =	shalt  }
0x56: {  	_ =	shalt  }
0x57: {  	_ =	shalt  }
0x58: {  	_ =	shalt  }
0x59: {  	_ =	shalt  }
0x5a: {  	_ =	shalt  }
0x5b: {  	_ =	shalt  }
0x5c: {  	_ =	shalt  }
0x5d: {  	_ =	shalt  }
0x5e: {  	_ =	shalt  }
0x5f: {  	_ =	shalt  }
0x60: {  	_ =	shalt  }
0x61: {  	_ =	shalt  }
0x62: {  	_ =	shalt  }
0x63: {  	_ =	shalt  }
0x64: {  	_ =	shalt  }
0x65: {  	_ =	shalt  }
0x66: {  	_ =	shalt  }
0x67: {  	_ =	shalt  }
0x68: {  	_ =	shalt  }
0x69: {  	_ =	shalt  }
0x6a: {  	_ =	shalt  }
0x6b: {  	_ =	shalt  }
0x6c: {  	_ =	shalt  }
0x6d: {  	_ =	shalt  }
0x6e: {  	_ =	shalt  }
0x6f: {  	_ =	shalt  }
0x70: {  	_ =	shalt  }
0x71: {  	_ =	shalt  }
0x72: {  	_ =	shalt  }
0x73: {  	_ =	shalt  }
0x74: {  	_ =	shalt  }
0x75: {  	_ =	shalt  }
0x76: {  	_ =	shalt  }
0x77: {  	_ =	shalt  }
0x78: {  	_ =	shalt  }
0x79: {  	_ =	shalt  }
0x7a: {  	_ =	shalt  }
0x7b: {  	_ =	shalt  }
0x7c: {  	_ =	shalt  }
0x7d: {  	_ =	shalt  }
0x7e: {  	_ =	shalt  }
0x7f: {  	_ =	shalt  }
0x80: {  	_ =	shalt  }
0x81: {  	_ =	shalt  }
0x82: {  	_ =	shalt  }
0x83: {  	_ =	shalt  }
0x84: {  	_ =	shalt  }
0x85: {  	_ =	shalt  }
0x86: {  	_ =	shalt  }
0x87: {  	_ =	shalt  }
.Lfunc_end0:
.L_simem_size_0:
called_computation_lowered:
.L_overlay_start_0:
0x88: {  	s2 =	sld [smem:$0x3FD9]  }
0x89: {  	s3 =	sld [smem:$0x3FFE];
	_ =	sdelay $0x1  }
0x8a: {  	s1 =	srdreg.scid  }
0x8b: {  	s0 =	sand.u32 $0x1, s1  }
0x8c: {  	s16 =	sshll.u32 s0, $0xA;
	s2 =	sadd.s32 s3, s2  }
0x8d: {  	s2 =	sadd.s32 s2, s16  }
0x8e: {  	[smem:$0x3FBA] =	sst s2  }
0x8f: {  	_ = 	snop  }
0x90: {  	(tm) =	ssettm $0x1  }
0x91: {  	s17 =	sld [smem:$0x3FFB];
	_ =	sdelay $0x3  }
0x92: {  	_ =	strace s17  }
0x93: {  	s2 =	sld [smem:$0x3FFC];
	_ =	sdelay $0x3  }
0x94: {  	_ =	strace s2  }
0x95: {  	s2 =	sld [smem:$0x3FFD];
	_ =	sdelay $0x3  }
0x96: {  	_ =	strace s2  }
0x97: {  	_ =	strace $0x8FFFFFFF  }
0x98: {  	s18 =	sld [smem:$0x3FDB];
	_ =	sdelay $0x1  }
0x99: {  	s19 =	simm.s32 $_scs_section_size  }
0x9a: {  	s4 =	simm.s32 $_size__tile_overlayer_lowered;
	s5 =	simm.s32 $_tile_overlayer_lowered  }
0x9b: {  	s22 =	simm.s32 $0x1BFF;
	s21 =	sshll.u32 s5, $0x1;
	s2 =	sadd.s32 s19, s18  }
0x9c: {  	s6 =	simm.s32 $0x0;
	s20 =	sshll.u32 s4, $0x1;
	s4 =	sadd.s32 s21, s2  }
0x9d: {  	[timem:s6], [sflag:s22] =	dma.local [hbm:s4], s20  }
0x9e: {  	_ =	swait.ge [sflag:s22], s20  }
0x9f: {  	s3 =	ssub.s32 $0x0, s20;
	[sflag:s22] =	ssyncset.done $0x0  }
0xa0: {  	[sflag:s22] =	ssyncadd.s32 s3;
	_ =	sdelay $0x1  }
0xa1: {  	s23 =	simm.s32 $0x1B8B  }
0xa2: {  	_ =	swait.ge [sflag:s23], $0x1  }
0xa3: {  	[sflag:s23] =	ssyncset.done $0x0  }
0xa4: {  	s25 =	simm.s32 $0x1B8E;
	s24 =	sld [smem:$0x3FFE];
	[sflag:s23] =	ssyncadd.s32 $0xFFFFFFFF  }
0xa5: {  	s26 =	simm.s32 $execute0_lowered;
	[smem:$0x3FD2] =	sst s25  }
0xa6: {  	s4 =	sshll.u32 s26, $0x1;
	_ =	strace $0x80000046;
	[dreg:$0x1] =	wrdreg $0xFFFFFFFF  }
0xa7: {  	s28 =	simm.s32 $_size_execute0_lowered;
	s2 =	sadd.s32 s2, s4;
	[dreg:$0x0] =	wrdreg $0x0  }
0xa8: {  	s4 =	sshll.u32 s28, $0x1;
	[dreg:$0x2] =	wrdreg s2  }
0xa9: {  	[dreg:$0x3] =	wrdreg s4  }
0xaa: {  	[dreg:$0x4] =	wrdreg $0xC0  }
0xab: {  	_ =	task [dreg:s6], $0x5FFFF  }
0xac: {  	[dreg:$0x1] =	wrdreg $0xFFFFFFFF  }
0xad: {  	[dreg:$0x0] =	wrdreg $0x60  }
0xae: {  	[dreg:$0x2] =	wrdreg s24  }
0xaf: {  	[dreg:$0x3] =	wrdreg $0x54000  }
0xb0: {  	[dreg:$0x4] =	wrdreg $0x9  }
0xb1: {  	_ =	task.clear_ibuf [dreg:s6], $0x5FFFF;
	_ =	strace $0x90000046  }
0xb2: {  	s29 =	simm.s32 $0x9;
	_ =	strace $0x80000048  }
0xb3: {  	_ =	swait.ge [sflag:s29], $0x1  }
0xb4: {  	[sflag:s29] =	ssyncadd.s32 $0xFFFFFFFF  }
0xb5: {  	_ =	strace $0x90000048  }
0xb6: {  	_ =	sfence  }
0xb7: {  	s30 =	sld [smem:$0x0];
	_ =	sdelay $0x2  }
0xb8: {  	s31 =	sshll.u32 s1, $0xD;
	s1 =	sshrl.u32 s1, $0x2  }
0xb9: {  	s3 =	sand.u32 $0x4000, s31;
	s1 =	sadd.s32 s1, s30  }
0xba: {  	s0 =	sor.u32 s3, s0;
	s1 =	sshll.u32 s1, $0x11  }
0xbb: {  	s0 =	sor.u32 s1, s0  }
0xbc: {  	s0 =	sadd.s32 $0x8F2B, s0  }
0xbd: {  	[sflag:s0] =	ssyncadd.remote.s32 $0x1  }
0xbe: {  	_ =	sfence.sel $0xFFFF  }
0xbf: {  	[dreg:$0x0] =	wrdreg $0xFFFFFFFF;
	(pc) =	sbr.abs _section_cstart, $3  }
0xc0: {  	[dreg:$0x1] =	wrdreg $0xFFFFFFFF  }
0xc1: {  	_ =	task.clear_ibuf [dreg:s6], $0x2FFFF;
	_ =	strace $0x9FFFFFFF  }
0xc2: {  	(tm) =	ssettm $0x7FFFFFFF  }
0xc3: {  	_ =	shalt  }
tec
execute0_lowered:
.L_overlay_start_1:
0x0: {  	(tag) =	ssettag $0x1  }
0x1: {  	s0 =	srdreg.scid;
	s6 =	rddreg [dreg:$0x0]  }
0x2: {  	s2 =	rddreg [dreg:$0x1];
	s5 =	sand.u32 $0x1, s0;
	s0 =	stileid.u32  }
0x3: {  	s3 =	simm.s32 $0x0;
	s13 =	simm.s32 $0x80;
	s7 =	smul.u32 $0x13C00, s0  }
0x4: {  	s14 =	simm.s32 $0x0;
	[smem:$0x7FF] =	sst s3;
	s8 =	smul.u32 $0x13C000, s5  }
0x5: {  	s1 =	sshll.u32 s5, $0x4;
	s5 =	ssub.s32 $0x2, s5;
	s29 =	smul.u32 $0x4F000, s0  }
0x6: {  	s31 =	sshll.u32 s0, $0x6;
	s4 =	sor.u32 s0, s1;
	s1 =	rddreg [dreg:$0x2]  }
0x7: {  	_ =	strace $0x80000047;
	s11 =	sshrl.u32 s5, $0x1;
	s4 =	smul.u32 $0x280, s4  }
0x8: {  	s10 =	sshrl.u32 s7, $0x3;
	s7 =	sadd.s32 s7, s8;
	s11 =	ssub.s32 s5, s11  }
0x9: {  	s30 =	sshrl.u32 s29, $0x2;
	s10 =	sadd.s32 s10, s6;
	s7 =	sshrl.u32 s7, $0x3  }
0xa: {  	s12 =	sadd.s32 s30, s2;
	s8 =	smax.u32 s11, $0x1;
	s11 =	sor.u32 $0x1C01, s31  }
0xb: {  	s9 =	sadd.s32 s4, s6;
	s4 =	sadd.s32 $0x2FE00, s6;
	s7 =	sadd.s32 s7, s6  }
0xc: {  	s6 =	sadd.s32 $0x8600, s10;
	s10 =	simm.s32 $0x1400;
	s12 =	sshrl.u32 s12, $0x3  }
0xd: {  	s5 =	sadd.s32 $0x3600, s9;
	s7 =	sadd.s32 $0x30600, s7;
	s9 =	simm.s32 $0x1  }
.LBB2_1:
0xe: {  	[tilespmem:s3], [sflag:$0x1] =	stream.linear.gather [hbm4b:s5+s3], $0x1400, $0x38;
	[tilespmem:$0x19000] =	vst v63  }
0xf: {  	_ =	swait.ge [sflag:s9], $0x1400  }
0x10: {  	[sflag:s9] =	ssyncset.done $0x0  }
0x11: {  	[sflag:s9] =	ssyncadd.s32 $0xFFFFEC00  }
0x12: {  	[tilespmem:s10], [sflag:$0x1] =	stream.linear.gather [hbm4b:s4+s3], $0x4000, $0x38;
	[tilespmem:$0x19000] =	vst v63  }
0x13: {  	_ =	swait.ge [sflag:s9], $0x4000  }
0x14: {  	[sflag:s9] =	ssyncset.done $0x0  }
0x15: {  	[sflag:s9] =	ssyncadd.s32 $0xFFFFC000  }
0x16: {  	[spmem:s12], [sflag:s11] =	dma.local [hbm:s6], $0x2780  }
0x17: {  	_ =	swait.ge [sflag:s9], $0x2780  }
0x18: {  	[sflag:s9] =	ssyncset.done $0x0  }
0x19: {  	[sflag:s9] =	ssyncadd.s32 $0xFFFFD880  }
0x1a: {  	s15 =	simm.s32 $0x0;
	[bflag:$0x0] =	sbarrier.arrive $0xFFFF  }
0x1b: {  	[spmem:s2] =	stream.indirect.scatter.add.f32 [tilespmem:s10], [sflag:$0x1], $0x80, s15, s13, $0xb8;
	[tilespmem:$0x19000] =	vst v63  }
0x1c: {  	_ =	swait.ge [sflag:s9], $0x4000  }
0x1d: {  	s15 =	simm.s32 $0x200;
	[sflag:s9] =	ssyncset.done $0x0  }
.LBB2_2:
0x1e: {  	s16 =	sshra.s32 s15, $0x2;
	[sflag:s9] =	ssyncadd.s32 $0xFFFFC000;
	p0 =	sne.s32 s15, $0x4E00  }
0x1f: {  	[spmem:s2] =	stream.indirect.scatter.add.f32 [tilespmem:s10], [sflag:$0x1], $0x80, s16, s13, $0xb8;
	[tilespmem:$0x19000] =	vst v63  }
.Ltmp0:
0x20: {  	_ = 	snop;
	(pc) =	sbr.rel @p0 .LBB2_2-.Ltmp0, $4  }
0x21: {  	_ = 	snop  }
0x22: {  	s15 =	sadd.s32 $0x200, s15  }
0x23: {  	_ =	swait.ge [sflag:s9], $0x4000  }
0x24: {  	[sflag:s9] =	ssyncset.done $0x0  }
0x25: {  	s14 =	sadd.s32 $0x1, s14  }
0x26: {  	[sflag:s9] =	ssyncadd.s32 $0xFFFFC000;
	p0 =	sne.s32 s14, s8  }
.Ltmp1:
0x27: {  	[bflag:$0x0] =	sbarrier.arrive $0xFFFF;
	(pc) =	sbr.rel @p0 .LBB2_1-.Ltmp1, $4  }
0x28: {  	[hbm:s7], [sflag:s11] =	dma.local [spmem:s12], $0x2780  }
0x29: {  	_ =	swait.ge [sflag:s9], $0x2780  }
0x2a: {  	[sflag:s9] =	ssyncset.done $0x0  }
0x2b: {  	[sflag:s9] =	ssyncadd.s32 $0xFFFFD880  }
0x2c: {  	_ =	sfence.sel $0x180000  }
0x2d: {  	[bflag:$0x0] =	sbarrier.arrive $0xFFFF  }
0x2e: {  	p0 =	sne.s32 s0, $0x0;
	_ =	strace $0x90000047  }
0x2f: {  	s0 =	sadd.s32 @!p0 $0x100000, s1;
	[bflag:$0x2] =	sbarrier.arrive $0xFFFF  }
0x30: {  	[sflag:s0] =	ssyncadd.tile.s32 @!p0 $0x1;
	_ =	shalt  }
.Lfunc_end2:
_tile_overlayer_lowered:
.L_overlay_start_2:
0x31: {  	(tag) =	ssettag $0x2  }
0x32: {  	s0 =	rddreg [dreg:$0x0];
	s2 =	stileid.u32  }
0x33: {  	s1 =	rddreg [dreg:$0x1];
	p0 =	sne.s32 s2, $0x0  }
0x34: {  	s3 =	rddreg [dreg:$0x2];
	[bflag:$0x3] =	sbarrier.arrive $0xFFFF;
	s2 =	simm.s32 @!p0 $0x1C01  }
0x35: {  	[timem:s3], [sflag:s2] =	dma.local @!p0 [hbm:s0], s1  }
0x36: {  	s0 =	simm.s32 @!p0 $0x1  }
0x37: {  	_ =	swait.ge @!p0 [sflag:s0], s1  }
0x38: {  	s1 =	ssub.s32 @!p0 $0x0, s1;
	[sflag:s0] =	ssyncset.done @!p0 $0x0  }
0x39: {  	[sflag:s0] =	ssyncadd.s32 @!p0 s1  }
0x3a: {  	[bflag:$0x3] =	sbarrier.arrive $0xFFFF  }
0x3b: {  	_ =	shalt  }

</sc_bundles>
